<compile_context>
chip_gen: v7x
topology: tpu7x:2x2x1
jax: 0.10.2.dev20260603
libtpu: 0.0.44.dev20260713+nightly
codegen_flags: <defaults>
</compile_context>

<pallas_src>
import functools

import jax
import jax.numpy as jnp
from jax import lax
from jax.experimental import pallas as pl
from jax.experimental.pallas import tpu as pltpu
from jax.experimental.pallas import tpu_sc as plsc

_OUT_H = 64
_OUT_W = 64
_NUM_NEURONS = _OUT_H * _OUT_W

_WIN_ROWS = 4
_WIN = _WIN_ROWS * _OUT_W
_NEGLIGIBLE_Z = 40.0


def _dsom_step_body(xp_ref, xn_ref, nT_ref, lr_ref, es_ref,
                    locs_ref, bmu_ref, nout_ref,
                    n_scr, norm_scr, dm_scr, d2_scr):
    i = pl.program_id(0)

    @pl.when(i == 0)
    def _init():
        nt = nT_ref[...]
        n_scr[...] = nt
        nrm = jnp.sum(nt * nt, axis=0, keepdims=True)
        norm_scr[...] = nrm
        nx0 = jnp.sum(xp_ref[0][:, 0:1] * nt, axis=0, keepdims=True)
        dm_scr[...] = nrm - 2.0 * nx0

    xa = xp_ref[0][:, 0:1]
    xb = xp_ref[0][:, 1:2]
    xc = xn_ref[0][:, 0:1]
    lr = lr_ref[0, 0]
    es = es_ref[0, 0]

    def _sample(x, xnext, j):
        n = n_scr[...]
        xnorm = jnp.sum(x * x)
        dm = dm_scr[...]
        d2_scr[...] = dm

        mm = jnp.min(dm)
        lane = lax.broadcasted_iota(jnp.int32, (1, _NUM_NEURONS), 1)
        bmu = jnp.min(jnp.where(dm == mm, lane, _NUM_NEURONS))
        row = bmu >> 6
        col = bmu & (_OUT_W - 1)
        m = jnp.maximum(mm + xnorm, 0.0)

        es_m = es * m
        r_max = jnp.sqrt(_NEGLIGIBLE_Z * es_m).astype(jnp.int32)
        fits = jnp.logical_and(m > jnp.float32(0.0),
                               2 * r_max + 2 <= _WIN_ROWS)

        def _win_start():
            r0 = jnp.clip(row - r_max, 0, _OUT_H - _WIN_ROWS) & ~1
            return pl.multiple_of(r0 * _OUT_W, 2 * _OUT_W)

        def _neigh_update(sub_lane, nw, d2w):
            kr = sub_lane >> 6
            kc = sub_lane & (_OUT_W - 1)
            gd = (jnp.abs(row - kr) + jnp.abs(col - kc)).astype(jnp.float32)
            neigh = jnp.where(m == jnp.float32(0.0),
                              jnp.zeros_like(d2w),
                              jnp.exp(-(gd * gd) / es_m))
            c = lr * (jnp.sqrt(d2w) * neigh)
            return nw + c * (x - nw)

        p_next = jnp.sum(xnext * n, axis=0, keepdims=True)
        dm_scr[...] = norm_scr[...] - 2.0 * p_next

        @pl.when(fits)
        def _windowed_update():
            s = _win_start()
            lanes = lax.broadcasted_iota(jnp.int32, (1, _WIN), 1) + s
            nw = n_scr[:, pl.ds(s, _WIN)]
            d2w = jnp.maximum(d2_scr[:, pl.ds(s, _WIN)] + xnorm, 0.0)
            nw_new = _neigh_update(lanes, nw, d2w)
            n_scr[:, pl.ds(s, _WIN)] = nw_new
            nrm_w = jnp.sum(nw_new * nw_new, axis=0, keepdims=True)
            norm_scr[:, pl.ds(s, _WIN)] = nrm_w
            nx_w = jnp.sum(xnext * nw_new, axis=0, keepdims=True)
            dm_scr[:, pl.ds(s, _WIN)] = nrm_w - 2.0 * nx_w

        @pl.when(jnp.logical_not(fits))
        def _dense_update():
            n_new = _neigh_update(lane, n, jnp.maximum(dm + xnorm, 0.0))
            n_scr[...] = n_new
            nrm_new = jnp.sum(n_new * n_new, axis=0, keepdims=True)
            norm_scr[...] = nrm_new
            nx_new = jnp.sum(xnext * n_new, axis=0, keepdims=True)
            dm_scr[...] = nrm_new - 2.0 * nx_new

        locs_ref[0, j, 0] = row
        locs_ref[0, j, 1] = col
        bmu_ref[0, j, 0] = bmu

    _sample(xa, xb, 0)
    _sample(xb, xc, 1)

    @pl.when(i == pl.num_programs(0) - 1)
    def _finish():
        nout_ref[...] = n_scr[...].T


def _dsom_scan(xp, nT, lr, es):
    nb, d, _ = xp.shape
    k = nT.shape[1]
    return pl.pallas_call(
        _dsom_step_body,
        grid=(nb,),
        in_specs=[
            pl.BlockSpec((1, d, 2), lambda t: (t, 0, 0)),
            pl.BlockSpec((1, d, 2), lambda t: (jnp.minimum(t + 1, nb - 1), 0, 0)),
            pl.BlockSpec((d, k), lambda t: (0, 0)),
            pl.BlockSpec(memory_space=pltpu.SMEM),
            pl.BlockSpec(memory_space=pltpu.SMEM),
        ],
        out_specs=[
            pl.BlockSpec((1, 2, 2), lambda t: (t, 0, 0), memory_space=pltpu.SMEM),
            pl.BlockSpec((1, 2, 1), lambda t: (t, 0, 0), memory_space=pltpu.SMEM),
            pl.BlockSpec((k, d), lambda t: (0, 0)),
        ],
        out_shape=[
            jax.ShapeDtypeStruct((nb, 2, 2), jnp.int32),
            jax.ShapeDtypeStruct((nb, 2, 1), jnp.int32),
            jax.ShapeDtypeStruct((k, d), jnp.float32),
        ],
        scratch_shapes=[pltpu.VMEM((d, k), jnp.float32),
                        pltpu.VMEM((1, k), jnp.float32),
                        pltpu.VMEM((1, k), jnp.float32),
                        pltpu.VMEM((1, k), jnp.float32)],
    )(xp, xp, nT, lr, es)


def _sc_gather(table, idx):
    info = plsc.get_sparse_core_info()
    nw = info.num_cores * info.num_subcores
    b = idx.shape[0]
    d = table.shape[1]
    b_per_w = b // nw
    mesh = plsc.VectorSubcoreMesh(core_axis_name="c", subcore_axis_name="s")

    @functools.partial(
        pl.kernel, mesh=mesh,
        out_type=jax.ShapeDtypeStruct((b, d), jnp.float32),
        scratch_types=[
            pltpu.VMEM((b_per_w,), jnp.int32),
            pltpu.VMEM((b_per_w, d), jnp.float32),
            pltpu.SemaphoreType.DMA,
        ],
    )
    def gather_kernel(table_hbm, idx_hbm, out_hbm, idx_v, rows_v, sem):
        wid = lax.axis_index("s") * info.num_cores + lax.axis_index("c")
        base = wid * b_per_w
        pltpu.sync_copy(idx_hbm.at[pl.ds(base, b_per_w)], idx_v)
        pltpu.async_copy(table_hbm.at[idx_v], rows_v, sem).wait()
        pltpu.sync_copy(rows_v, out_hbm.at[pl.ds(base, b_per_w)])

    return gather_kernel(table, idx)


@jax.jit
def kernel(input, neurons, learning_rate, elasticity_squared):
    b, d = input.shape
    xp = input.reshape(b // 2, 2, d).transpose(0, 2, 1)
    nT = neurons.T
    lr = jnp.asarray(learning_rate, jnp.float32).reshape(1, 1)
    es = jnp.asarray(elasticity_squared, jnp.float32).reshape(1, 1)

    locs, bmus, n_final = _dsom_scan(xp, nT, lr, es)
    values = _sc_gather(n_final, bmus.reshape(b))
    return locs.reshape(b, 2), values

# --- scband reference (transcript-rebuilt; emitter-appended) ---
"""Pipeline reference for scband-dsom-60447369724283 (READ-ONLY COPY).

The authoritative reference and input builder live on the scoring server;
editing this copy changes nothing except your own understanding.
"""

import jax, jax.numpy as jnp
import numpy as np

OUT_FEATURES = (64, 64)
IN_FEATURES = (256,)
K = OUT_FEATURES[0] * OUT_FEATURES[1]


def _grid_coordinates():
    ii, jj = jnp.meshgrid(jnp.arange(OUT_FEATURES[0]), jnp.arange(OUT_FEATURES[1]), indexing='ij')
    return jnp.stack([ii.reshape(-1), jj.reshape(-1)], axis=-1).astype(jnp.float32)


def setup_inputs(seed: int = 0) -> dict:
    key = jax.random.key(seed)
    k1, k2 = jax.random.split(key)
    x = jax.random.normal(k1, (512, 256), dtype=jnp.float32)
    neurons = jax.random.uniform(k2, (K, 256), dtype=jnp.float32, minval=0.0, maxval=1.0)
    learning_rate = jnp.asarray(0.01, dtype=jnp.float32)
    elasticity_squared = jnp.asarray(0.01, dtype=jnp.float32) ** 2
    return {"input": x, "neurons": neurons, "learning_rate": learning_rate, "elasticity_squared": elasticity_squared}


def reference(input, neurons, learning_rate, elasticity_squared):
    grid = _grid_coordinates()  # [K, 2] float
    x_batch = input.reshape((input.shape[0], -1))  # [B, D]

    def step(neurons_c, x):
        diff = x[None, :] - neurons_c                      # [K, D]
        d2 = jnp.sum(diff * diff, axis=-1)                 # [K]
        bmu = jnp.argmin(d2)                               # scalar int (first occurrence, matches torch.min)
        bmu_d2 = d2[bmu]
        loc = jnp.stack([bmu // OUT_FEATURES[1], bmu % OUT_FEATURES[1]])  # [2] int
        grid_diff = loc.astype(jnp.float32) - grid         # [K, 2]
        grid_dist = jnp.sum(jnp.abs(grid_diff), axis=-1)   # [K]
        neigh = jnp.where(bmu_d2 == jnp.float32(0.0), jnp.float32(0.0),
                          jnp.exp(-(grid_dist * grid_dist) / (elasticity_squared * bmu_d2)))
        learning = learning_rate * (jnp.sqrt(d2) * neigh)[:, None] * diff
        return neurons_c + learning, (bmu, loc)

    neurons_final, (bmus, locs) = jax.lax.scan(step, neurons, x_batch)
    # torch gathers neurons[bmu] AFTER all in-place updates completed
    values = jnp.take(neurons_final, bmus, axis=0).reshape((-1,) + IN_FEATURES)
    return locs, values

if __name__ == "__main__":
    import jax
    _d = setup_inputs()
    print(jax.jit(kernel)(*tuple(_d.values())))

</pallas_src>

<mosaic_0001>
#map = affine_map<(d0, d1) -> (0, 0)>
#map1 = affine_map<(d0, d1) -> (0)>
module attributes {stable_mosaic.version = 14 : i64} {
  func.func @gather_kernel(%arg0: i32, %arg1: i32, %arg2: memref<4096x256xf32, #tpu.memory_space<hbm>>, %arg3: memref<512xi32, #tpu.memory_space<hbm>>, %arg4: memref<512x256xf32, #tpu.memory_space<hbm>>, %arg5: memref<16xi32, #tpu.memory_space<vmem>>, %arg6: memref<16x256xf32, #tpu.memory_space<vmem>>, %arg7: memref<!tpu.dma_semaphore, #tpu.memory_space<semaphore_mem>>) attributes {dimension_semantics = [#tpu.dimension_semantics<core_parallel>, #tpu.dimension_semantics<subcore_parallel>], iteration_bounds = array<i64: 2, 16>, scalar_prefetch = 0 : i64, scratch_operands = 3 : i64, tpu.core_type = #tpu.core_type<sc_vector_subcore>, window_params = [{transform_indices = #map}, {transform_indices = #map1}, {transform_indices = #map}]} {
    %mul3A = arith.constant 2 : i32
    %mul3A_0 = arith.muli %arg1, %mul3A : i32
    %add3A = arith.addi %mul3A_0, %arg0 : i32
    %mul3A_1 = arith.constant 16 : i32
    %mul3A_2 = arith.muli %add3A, %mul3A_1 : i32
    "tpu.region"() ({
      %run_scoped3A = tpu.sem_alloc : memref<!tpu.dma_semaphore, #tpu.memory_space<semaphore_mem>>
      %dma_start3A_7 = tpu.memref_slice %arg3[%mul3A_2] : memref<512xi32, #tpu.memory_space<hbm>> -> memref<16xi32, #tpu.memory_space<hbm>>
      %dma_start3A_8 = tpu.memref_slice %arg3[%mul3A_2] : memref<512xi32, #tpu.memory_space<hbm>> -> memref<16xi32, #tpu.memory_space<hbm>>
      tpu.enqueue_dma source(%dma_start3A_8 : memref<16xi32, #tpu.memory_space<hbm>>) target(%arg5 : memref<16xi32, #tpu.memory_space<vmem>>) target_semaphore(%run_scoped3A : memref<!tpu.dma_semaphore, #tpu.memory_space<semaphore_mem>>)
      %dma_wait3A_9 = tpu.memref_slice %arg3[%mul3A_2] : memref<512xi32, #tpu.memory_space<hbm>> -> memref<16xi32, #tpu.memory_space<hbm>>
      %dma_wait3A_10 = tpu.memref_slice %arg3[%mul3A_2] : memref<512xi32, #tpu.memory_space<hbm>> -> memref<16xi32, #tpu.memory_space<hbm>>
      tpu.wait_dma2 semaphore(%run_scoped3A : memref<!tpu.dma_semaphore, #tpu.memory_space<semaphore_mem>>) src(%dma_wait3A_10 : memref<16xi32, #tpu.memory_space<hbm>>) dst(%arg5 : memref<16xi32, #tpu.memory_space<vmem>>)
      tpu.yield
    }) : () -> ()
    %dma_start3A = arith.constant 0 : i32
    %dma_start3A_3 = arith.constant 0 : i32
    %dma_start3A_4 = tpu.memref_slice %arg2[%dma_start3A, %dma_start3A_3] : memref<4096x256xf32, #tpu.memory_space<hbm>> -> memref<4096x256xf32, #tpu.memory_space<hbm>>
    tpu.enqueue_indirect_dma source(%dma_start3A_4 : memref<4096x256xf32, #tpu.memory_space<hbm>>) target(%arg6 : memref<16x256xf32, #tpu.memory_space<vmem>>) offsets(%arg5 : memref<16xi32, #tpu.memory_space<vmem>>) semaphore(%arg7 : memref<!tpu.dma_semaphore, #tpu.memory_space<semaphore_mem>>)
    %dma_wait3A = arith.constant 0 : i32
    %dma_wait3A_5 = arith.constant 0 : i32
    %dma_wait3A_6 = tpu.memref_slice %arg2[%dma_wait3A, %dma_wait3A_5] : memref<4096x256xf32, #tpu.memory_space<hbm>> -> memref<4096x256xf32, #tpu.memory_space<hbm>>
    tpu.wait_indirect_dma semaphore(%arg7 : memref<!tpu.dma_semaphore, #tpu.memory_space<semaphore_mem>>) src(%dma_wait3A_6 : memref<4096x256xf32, #tpu.memory_space<hbm>>) dst(%arg6 : memref<16x256xf32, #tpu.memory_space<vmem>>)
    "tpu.region"() ({
      %run_scoped3A = tpu.sem_alloc : memref<!tpu.dma_semaphore, #tpu.memory_space<semaphore_mem>>
      %dma_start3A_7 = arith.constant 0 : i32
      %dma_start3A_8 = tpu.memref_slice %arg4[%mul3A_2, %dma_start3A_7] : memref<512x256xf32, #tpu.memory_space<hbm>> -> memref<16x256xf32, #tpu.memory_space<hbm>>
      %dma_start3A_9 = arith.constant 0 : i32
      %dma_start3A_10 = tpu.memref_slice %arg4[%mul3A_2, %dma_start3A_9] : memref<512x256xf32, #tpu.memory_space<hbm>> -> memref<16x256xf32, #tpu.memory_space<hbm>>
      tpu.enqueue_dma source(%arg6 : memref<16x256xf32, #tpu.memory_space<vmem>>) target(%dma_start3A_10 : memref<16x256xf32, #tpu.memory_space<hbm>>) target_semaphore(%run_scoped3A : memref<!tpu.dma_semaphore, #tpu.memory_space<semaphore_mem>>)
      %dma_wait3A_11 = arith.constant 0 : i32
      %dma_wait3A_12 = tpu.memref_slice %arg4[%mul3A_2, %dma_wait3A_11] : memref<512x256xf32, #tpu.memory_space<hbm>> -> memref<16x256xf32, #tpu.memory_space<hbm>>
      %dma_wait3A_13 = arith.constant 0 : i32
      %dma_wait3A_14 = tpu.memref_slice %arg4[%mul3A_2, %dma_wait3A_13] : memref<512x256xf32, #tpu.memory_space<hbm>> -> memref<16x256xf32, #tpu.memory_space<hbm>>
      tpu.wait_dma2 semaphore(%run_scoped3A : memref<!tpu.dma_semaphore, #tpu.memory_space<semaphore_mem>>) src(%arg6 : memref<16x256xf32, #tpu.memory_space<vmem>>) dst(%dma_wait3A_14 : memref<16x256xf32, #tpu.memory_space<hbm>>)
      tpu.yield
    }) : () -> ()
    return
  }
}

module attributes {stable_mosaic.version = 14 : i64} {
  func.func @_dsom_step_body(%arg0: i32, %arg1: memref<1x256x2xf32, #tpu.memory_space<vmem>>, %arg2: memref<1x256x2xf32, #tpu.memory_space<vmem>>, %arg3: memref<256x4096xf32, #tpu.memory_space<vmem>>, %arg4: memref<1x1xf32, #tpu.memory_space<smem>>, %arg5: memref<1x1xf32, #tpu.memory_space<smem>>, %arg6: memref<1x2x2xi32, #tpu.memory_space<smem>>, %arg7: memref<1x2x1xi32, #tpu.memory_space<smem>>, %arg8: memref<4096x256xf32, #tpu.memory_space<vmem>>, %arg9: memref<256x4096xf32, #tpu.memory_space<vmem>>, %arg10: memref<1x4096xf32, #tpu.memory_space<vmem>>, %arg11: memref<1x4096xf32, #tpu.memory_space<vmem>>, %arg12: memref<1x4096xf32, #tpu.memory_space<vmem>>) attributes {dimension_semantics = [#tpu.dimension_semantics<arbitrary>], iteration_bounds = array<i64: 256>, scalar_prefetch = 0 : i64, scratch_operands = 4 : i64, tpu.core_type = #tpu.core_type<tc>, window_params = [{transform_indices = @transform_0, window_bounds = array<i64: 1, 256, 2>}, {transform_indices = @transform_1, window_bounds = array<i64: 1, 256, 2>}, {pipeline_mode = #tpu.pipeline_mode<synchronous>, transform_indices = @transform_2, window_bounds = array<i64: 256, 4096>}, {transform_indices = @transform_3, window_bounds = array<i64: 1, 1>}, {transform_indices = @transform_4, window_bounds = array<i64: 1, 1>}, {transform_indices = @transform_5, window_bounds = array<i64: 1, 2, 2>}, {transform_indices = @transform_6, window_bounds = array<i64: 1, 2, 1>}, {pipeline_mode = #tpu.pipeline_mode<synchronous>, transform_indices = @transform_7, window_bounds = array<i64: 4096, 256>}]} {
    %eq3A = arith.constant 0 : i32
    %eq3A_0 = arith.cmpi eq, %arg0, %eq3A : i32
    %convert_element_type3A = arith.extui %eq3A_0 : i1 to i32
    %cond3A = arith.constant 0 : i32
    %cond3A_1 = arith.cmpi ne, %convert_element_type3A, %cond3A : i32
    scf.if %cond3A_1 {
      %get3A_186 = arith.constant 0 : index
      %get3A_187 = arith.constant 0 : index
      %get3A_188 = vector.load %arg3[%get3A_186, %get3A_187] : memref<256x4096xf32, #tpu.memory_space<vmem>>, vector<256x4096xf32>
      %swap3A_189 = arith.constant 0 : index
      %swap3A_190 = arith.constant 0 : index
      %swap3A_191 = vector.load %arg9[%swap3A_189, %swap3A_190] : memref<256x4096xf32, #tpu.memory_space<vmem>>, vector<256x4096xf32>
      tpu.vector_store %arg9[%swap3A_189, %swap3A_190], %get3A_188 {strides = array<i32>} : memref<256x4096xf32, #tpu.memory_space<vmem>>, vector<256x4096xf32>,
      %mul3A_192 = arith.mulf %get3A_188, %get3A_188 : vector<256x4096xf32>
      %reduce_sum3A_193 = arith.constant dense<0.000000e+00> : vector<4096xf32>
      %reduce_sum3A_194 = vector.multi_reduction <add>, %mul3A_192, %reduce_sum3A_193 [0] : vector<256x4096xf32> to vector<4096xf32>
      %broadcast_in_dim3A_195 = vector.shape_cast %reduce_sum3A_194 : vector<4096xf32> to vector<1x4096xf32>
      %swap3A_196 = arith.constant 0 : index
      %swap3A_197 = arith.constant 0 : index
      %swap3A_198 = vector.load %arg10[%swap3A_196, %swap3A_197] : memref<1x4096xf32, #tpu.memory_space<vmem>>, vector<1x4096xf32>
      tpu.vector_store %arg10[%swap3A_196, %swap3A_197], %broadcast_in_dim3A_195 {strides = array<i32>} : memref<1x4096xf32, #tpu.memory_space<vmem>>, vector<1x4096xf32>,
      %get3A_199 = arith.constant 0 : index
      %get3A_200 = arith.constant 0 : index
      %get3A_201 = arith.constant 0 : index
      %get3A_202 = vector.load %arg1[%get3A_199, %get3A_200, %get3A_201] : memref<1x256x2xf32, #tpu.memory_space<vmem>>, vector<1x256x2xf32>
      %get3A_203 = vector.shape_cast %get3A_202 : vector<1x256x2xf32> to vector<256x2xf32>
      %slice3A_204 = vector.extract_strided_slice %get3A_203 {offsets = [0, 0], sizes = [256, 1], strides = [1, 1]} : vector<256x2xf32> to vector<256x1xf32>
      %mul3A_205 = vector.broadcast %slice3A_204 : vector<256x1xf32> to vector<256x4096xf32>
      %mul3A_206 = arith.mulf %mul3A_205, %get3A_188 : vector<256x4096xf32>
      %reduce_sum3A_207 = arith.constant dense<0.000000e+00> : vector<4096xf32>
      %reduce_sum3A_208 = vector.multi_reduction <add>, %mul3A_206, %reduce_sum3A_207 [0] : vector<256x4096xf32> to vector<4096xf32>
      %broadcast_in_dim3A_209 = vector.shape_cast %reduce_sum3A_208 : vector<4096xf32> to vector<1x4096xf32>
      %mul3A_210 = arith.constant 2.000000e+00 : f32
      %mul3A_211 = vector.broadcast %mul3A_210 : f32 to vector<1x4096xf32>
      %mul3A_212 = arith.mulf %mul3A_211, %broadcast_in_dim3A_209 : vector<1x4096xf32>
      %sub3A_213 = arith.subf %broadcast_in_dim3A_195, %mul3A_212 : vector<1x4096xf32>
      %swap3A_214 = arith.constant 0 : index
      %swap3A_215 = arith.constant 0 : index
      %swap3A_216 = vector.load %arg11[%swap3A_214, %swap3A_215] : memref<1x4096xf32, #tpu.memory_space<vmem>>, vector<1x4096xf32>
      tpu.vector_store %arg11[%swap3A_214, %swap3A_215], %sub3A_213 {strides = array<i32>} : memref<1x4096xf32, #tpu.memory_space<vmem>>, vector<1x4096xf32>,
    } else {
    }
    %get3A = arith.constant 0 : index
    %get3A_2 = arith.constant 0 : index
    %get3A_3 = arith.constant 0 : index
    %get3A_4 = vector.load %arg1[%get3A, %get3A_2, %get3A_3] : memref<1x256x2xf32, #tpu.memory_space<vmem>>, vector<1x256x2xf32>
    %get3A_5 = vector.shape_cast %get3A_4 : vector<1x256x2xf32> to vector<256x2xf32>
    %slice3A = vector.extract_strided_slice %get3A_5 {offsets = [0, 0], sizes = [256, 1], strides = [1, 1]} : vector<256x2xf32> to vector<256x1xf32>
    %get3A_6 = arith.constant 0 : index
    %get3A_7 = arith.constant 0 : index
    %get3A_8 = arith.constant 0 : index
    %get3A_9 = vector.load %arg1[%get3A_6, %get3A_7, %get3A_8] : memref<1x256x2xf32, #tpu.memory_space<vmem>>, vector<1x256x2xf32>
    %get3A_10 = vector.shape_cast %get3A_9 : vector<1x256x2xf32> to vector<256x2xf32>
    %slice3A_11 = vector.extract_strided_slice %get3A_10 {offsets = [0, 1], sizes = [256, 1], strides = [1, 1]} : vector<256x2xf32> to vector<256x1xf32>
    %get3A_12 = arith.constant 0 : index
    %get3A_13 = arith.constant 0 : index
    %get3A_14 = arith.constant 0 : index
    %get3A_15 = vector.load %arg2[%get3A_12, %get3A_13, %get3A_14] : memref<1x256x2xf32, #tpu.memory_space<vmem>>, vector<1x256x2xf32>
    %get3A_16 = vector.shape_cast %get3A_15 : vector<1x256x2xf32> to vector<256x2xf32>
    %slice3A_17 = vector.extract_strided_slice %get3A_16 {offsets = [0, 0], sizes = [256, 1], strides = [1, 1]} : vector<256x2xf32> to vector<256x1xf32>
    %get3A_18 = arith.constant 0 : index
    %get3A_19 = arith.constant 0 : index
    %get3A_20 = memref.load %arg4[%get3A_18, %get3A_19] : memref<1x1xf32, #tpu.memory_space<smem>>
    %get3A_21 = arith.constant 0 : index
    %get3A_22 = arith.constant 0 : index
    %get3A_23 = memref.load %arg5[%get3A_21, %get3A_22] : memref<1x1xf32, #tpu.memory_space<smem>>
    %get3A_24 = arith.constant 0 : index
    %get3A_25 = arith.constant 0 : index
    %get3A_26 = vector.load %arg9[%get3A_24, %get3A_25] : memref<256x4096xf32, #tpu.memory_space<vmem>>, vector<256x4096xf32>
    %mul3A = arith.mulf %slice3A, %slice3A : vector<256x1xf32>
    %reduce_sum3A = vector.shape_cast %mul3A : vector<256x1xf32> to vector<1x256x1xf32>
    %reduce_sum3A_27 = arith.constant dense<0.000000e+00> : vector<1xf32>
    %reduce_sum3A_28 = vector.multi_reduction <add>, %reduce_sum3A, %reduce_sum3A_27 [1, 2] : vector<1x256x1xf32> to vector<1xf32>
    %reduce_sum3A_29 = vector.shape_cast %reduce_sum3A_28 : vector<1xf32> to vector<1x1x1xf32>
    %reduce_sum3A_30 = vector.extract %reduce_sum3A_29[0, 0, 0] : f32 from vector<1x1x1xf32>
    %get3A_31 = arith.constant 0 : index
    %get3A_32 = arith.constant 0 : index
    %get3A_33 = vector.load %arg11[%get3A_31, %get3A_32] : memref<1x4096xf32, #tpu.memory_space<vmem>>, vector<1x4096xf32>
    %swap3A = arith.constant 0 : index
    %swap3A_34 = arith.constant 0 : index
    %swap3A_35 = vector.load %arg12[%swap3A, %swap3A_34] : memref<1x4096xf32, #tpu.memory_space<vmem>>, vector<1x4096xf32>
    tpu.vector_store %arg12[%swap3A, %swap3A_34], %get3A_33 {strides = array<i32>} : memref<1x4096xf32, #tpu.memory_space<vmem>>, vector<1x4096xf32>,
    %reduce_min3A = vector.shape_cast %get3A_33 : vector<1x4096xf32> to vector<1x1x4096xf32>
    %reduce_min3A_36 = arith.constant dense<0x7F800000> : vector<1xf32>
    %reduce_min3A_37 = vector.multi_reduction <minimumf>, %reduce_min3A, %reduce_min3A_36 [1, 2] : vector<1x1x4096xf32> to vector<1xf32>
    %reduce_min3A_38 = vector.shape_cast %reduce_min3A_37 : vector<1xf32> to vector<1x1x1xf32>
    %reduce_min3A_39 = vector.extract %reduce_min3A_38[0, 0, 0] : f32 from vector<1x1x1xf32>
    %iota3A = tpu.iota {dimensions = array<i32: 1>} : vector<1x4096xi32>
    %eq3A_40 = vector.broadcast %reduce_min3A_39 : f32 to vector<1x4096xf32>
    %eq3A_41 = arith.cmpf oeq, %get3A_33, %eq3A_40 : vector<1x4096xf32>
    %jit3A = arith.constant 4096 : i32
    %broadcast_in_dim3A = vector.broadcast %jit3A : i32 to vector<1x4096xi32>
    %select_n3A = arith.select %eq3A_41, %iota3A, %broadcast_in_dim3A : vector<1x4096xi1>, vector<1x4096xi32>
    %reduce_min3A_42 = vector.shape_cast %select_n3A : vector<1x4096xi32> to vector<1x1x4096xi32>
    %reduce_min3A_43 = arith.constant dense<2147483647> : vector<1xi32>
    %reduce_min3A_44 = vector.multi_reduction <minsi>, %reduce_min3A_42, %reduce_min3A_43 [1, 2] : vector<1x1x4096xi32> to vector<1xi32>
    %reduce_min3A_45 = vector.shape_cast %reduce_min3A_44 : vector<1xi32> to vector<1x1x1xi32>
    %reduce_min3A_46 = vector.extract %reduce_min3A_45[0, 0, 0] : i32 from vector<1x1x1xi32>
    %shift_right_arithmetic3A = arith.constant 6 : i32
    %shift_right_arithmetic3A_47 = arith.shrsi %reduce_min3A_46, %shift_right_arithmetic3A : i32
    %and3A = arith.constant 63 : i32
    %and3A_48 = arith.andi %reduce_min3A_46, %and3A : i32
    %add3A = arith.addf %reduce_min3A_39, %reduce_sum3A_30 : f32
    %max3A = arith.constant 0.000000e+00 : f32
    %max3A_49 = arith.maximumf %add3A, %max3A : f32
    %mul3A_50 = arith.mulf %get3A_23, %max3A_49 : f32
    %mul3A_51 = arith.constant 4.000000e+01 : f32
    %mul3A_52 = arith.mulf %mul3A_51, %mul3A_50 : f32
    %sqrt3A = math.sqrt %mul3A_52 : f32
    %convert_element_type3A_53 = arith.fptosi %sqrt3A : f32 to i32
    %gt3A = arith.constant 0.000000e+00 : f32
    %gt3A_54 = arith.cmpf ogt, %max3A_49, %gt3A : f32
    %mul3A_55 = arith.constant 2 : i32
    %mul3A_56 = arith.muli %mul3A_55, %convert_element_type3A_53 : i32
    %add3A_57 = arith.constant 2 : i32
    %add3A_58 = arith.addi %mul3A_56, %add3A_57 : i32
    %le3A = arith.constant 4 : i32
    %le3A_59 = arith.cmpi sle, %add3A_58, %le3A : i32
    %and3A_60 = arith.andi %gt3A_54, %le3A_59 : i1
    %mul3A_61 = vector.broadcast %slice3A_11 : vector<256x1xf32> to vector<256x4096xf32>
    %mul3A_62 = arith.mulf %mul3A_61, %get3A_26 : vector<256x4096xf32>
    %reduce_sum3A_63 = arith.constant dense<0.000000e+00> : vector<4096xf32>
    %reduce_sum3A_64 = vector.multi_reduction <add>, %mul3A_62, %reduce_sum3A_63 [0] : vector<256x4096xf32> to vector<4096xf32>
    %broadcast_in_dim3A_65 = vector.shape_cast %reduce_sum3A_64 : vector<4096xf32> to vector<1x4096xf32>
    %get3A_66 = arith.constant 0 : index
    %get3A_67 = arith.constant 0 : index
    %get3A_68 = vector.load %arg10[%get3A_66, %get3A_67] : memref<1x4096xf32, #tpu.memory_space<vmem>>, vector<1x4096xf32>
    %mul3A_69 = arith.constant 2.000000e+00 : f32
    %mul3A_70 = vector.broadcast %mul3A_69 : f32 to vector<1x4096xf32>
    %mul3A_71 = arith.mulf %mul3A_70, %broadcast_in_dim3A_65 : vector<1x4096xf32>
    %sub3A = arith.subf %get3A_68, %mul3A_71 : vector<1x4096xf32>
    %swap3A_72 = arith.constant 0 : index
    %swap3A_73 = arith.constant 0 : index
    %swap3A_74 = vector.load %arg11[%swap3A_72, %swap3A_73] : memref<1x4096xf32, #tpu.memory_space<vmem>>, vector<1x4096xf32>
    tpu.vector_store %arg11[%swap3A_72, %swap3A_73], %sub3A {strides = array<i32>} : memref<1x4096xf32, #tpu.memory_space<vmem>>, vector<1x4096xf32>,
    %convert_element_type3A_75 = arith.extui %and3A_60 : i1 to i32
    %cond3A_76 = arith.constant 0 : i32
    %cond3A_77 = arith.cmpi ne, %convert_element_type3A_75, %cond3A_76 : i32
    scf.if %cond3A_77 {
      %sub3A_186 = arith.subi %shift_right_arithmetic3A_47, %convert_element_type3A_53 : i32
      %jit3A_187 = arith.constant 0 : i32
      %jit3A_188 = arith.constant 60 : i32
      %max3A_189 = arith.maxsi %jit3A_187, %sub3A_186 : i32
      %min3A = arith.minsi %jit3A_188, %max3A_189 : i32
      %and3A_190 = arith.constant -2 : i32
      %and3A_191 = arith.andi %min3A, %and3A_190 : i32
      %mul3A_192 = arith.constant 64 : i32
      %mul3A_193 = arith.muli %and3A_191, %mul3A_192 : i32
      %multiple_of3A = tpu.assume_multiple %mul3A_193, 128 : i32
      %iota3A_194 = tpu.iota {dimensions = array<i32: 1>} : vector<1x256xi32>
      %add3A_195 = vector.broadcast %multiple_of3A : i32 to vector<1x256xi32>
      %add3A_196 = arith.addi %iota3A_194, %add3A_195 : vector<1x256xi32>
      %get3A_197 = arith.constant 0 : index
      %get3A_198 = arith.index_cast %multiple_of3A : i32 to index
      %get3A_199 = vector.load %arg9[%get3A_197, %get3A_198] : memref<256x4096xf32, #tpu.memory_space<vmem>>, vector<256x256xf32>
      %get3A_200 = arith.constant 0 : index
      %get3A_201 = arith.index_cast %multiple_of3A : i32 to index
      %get3A_202 = vector.load %arg12[%get3A_200, %get3A_201] : memref<1x4096xf32, #tpu.memory_space<vmem>>, vector<1x256xf32>
      %add3A_203 = vector.broadcast %reduce_sum3A_30 : f32 to vector<1x256xf32>
      %add3A_204 = arith.addf %get3A_202, %add3A_203 : vector<1x256xf32>
      %max3A_205 = arith.constant 0.000000e+00 : f32
      %max3A_206 = vector.broadcast %max3A_205 : f32 to vector<1x256xf32>
      %max3A_207 = arith.maximumf %add3A_204, %max3A_206 : vector<1x256xf32>
      %shift_right_arithmetic3A_208 = arith.constant 6 : i32
      %shift_right_arithmetic3A_209 = vector.broadcast %shift_right_arithmetic3A_208 : i32 to vector<1x256xi32>
      %shift_right_arithmetic3A_210 = arith.shrsi %add3A_196, %shift_right_arithmetic3A_209 : vector<1x256xi32>
      %and3A_211 = arith.constant 63 : i32
      %and3A_212 = vector.broadcast %and3A_211 : i32 to vector<1x256xi32>
      %and3A_213 = arith.andi %add3A_196, %and3A_212 : vector<1x256xi32>
      %sub3A_214 = vector.broadcast %shift_right_arithmetic3A_47 : i32 to vector<1x256xi32>
      %sub3A_215 = arith.subi %sub3A_214, %shift_right_arithmetic3A_210 : vector<1x256xi32>
      %abs3A = math.absi %sub3A_215 : vector<1x256xi32>
      %sub3A_216 = vector.broadcast %and3A_48 : i32 to vector<1x256xi32>
      %sub3A_217 = arith.subi %sub3A_216, %and3A_213 : vector<1x256xi32>
      %abs3A_218 = math.absi %sub3A_217 : vector<1x256xi32>
      %add3A_219 = arith.addi %abs3A, %abs3A_218 : vector<1x256xi32>
      %convert_element_type3A_220 = arith.sitofp %add3A_219 : vector<1x256xi32> to vector<1x256xf32>
      %eq3A_221 = arith.constant 0.000000e+00 : f32
      %eq3A_222 = arith.cmpf oeq, %max3A_49, %eq3A_221 : f32
      %broadcast_in_dim3A_223 = arith.constant 0.000000e+00 : f32
      %broadcast_in_dim3A_224 = vector.broadcast %broadcast_in_dim3A_223 : f32 to vector<1x256xf32>
      %mul3A_225 = arith.mulf %convert_element_type3A_220, %convert_element_type3A_220 : vector<1x256xf32>
      %neg3A = arith.constant 0.000000e+00 : f32
      %neg3A_226 = vector.broadcast %neg3A : f32 to vector<1x256xf32>
      %neg3A_227 = arith.subf %neg3A_226, %mul3A_225 : vector<1x256xf32>
      %div3A = vector.broadcast %mul3A_50 : f32 to vector<1x256xf32>
      %div3A_228 = arith.divf %neg3A_227, %div3A : vector<1x256xf32>
      %exp3A = math.exp %div3A_228 : vector<1x256xf32>
      %select_n3A_229 = arith.select %eq3A_222, %broadcast_in_dim3A_224, %exp3A : vector<1x256xf32>
      %sqrt3A_230 = math.sqrt %max3A_207 : vector<1x256xf32>
      %mul3A_231 = arith.mulf %sqrt3A_230, %select_n3A_229 : vector<1x256xf32>
      %mul3A_232 = vector.broadcast %get3A_20 : f32 to vector<1x256xf32>
      %mul3A_233 = arith.mulf %mul3A_232, %mul3A_231 : vector<1x256xf32>
      %sub3A_234 = vector.broadcast %slice3A : vector<256x1xf32> to vector<256x256xf32>
      %sub3A_235 = arith.subf %sub3A_234, %get3A_199 : vector<256x256xf32>
      %mul3A_236 = vector.broadcast %mul3A_233 : vector<1x256xf32> to vector<256x256xf32>
      %mul3A_237 = arith.mulf %mul3A_236, %sub3A_235 : vector<256x256xf32>
      %add3A_238 = arith.addf %get3A_199, %mul3A_237 : vector<256x256xf32>
      %swap3A_239 = arith.constant 0 : index
      %swap3A_240 = arith.index_cast %multiple_of3A : i32 to index
      %swap3A_241 = vector.load %arg9[%swap3A_239, %swap3A_240] : memref<256x4096xf32, #tpu.memory_space<vmem>>, vector<256x256xf32>
      tpu.vector_store %arg9[%swap3A_239, %swap3A_240], %add3A_238 {strides = array<i32>} : memref<256x4096xf32, #tpu.memory_space<vmem>>, vector<256x256xf32>,
      %mul3A_242 = arith.mulf %add3A_238, %add3A_238 : vector<256x256xf32>
      %reduce_sum3A_243 = arith.constant dense<0.000000e+00> : vector<256xf32>
      %reduce_sum3A_244 = vector.multi_reduction <add>, %mul3A_242, %reduce_sum3A_243 [0] : vector<256x256xf32> to vector<256xf32>
      %broadcast_in_dim3A_245 = vector.shape_cast %reduce_sum3A_244 : vector<256xf32> to vector<1x256xf32>
      %swap3A_246 = arith.constant 0 : index
      %swap3A_247 = arith.index_cast %multiple_of3A : i32 to index
      %swap3A_248 = vector.load %arg10[%swap3A_246, %swap3A_247] : memref<1x4096xf32, #tpu.memory_space<vmem>>, vector<1x256xf32>
      tpu.vector_store %arg10[%swap3A_246, %swap3A_247], %broadcast_in_dim3A_245 {strides = array<i32>} : memref<1x4096xf32, #tpu.memory_space<vmem>>, vector<1x256xf32>,
      %mul3A_249 = vector.broadcast %slice3A_11 : vector<256x1xf32> to vector<256x256xf32>
      %mul3A_250 = arith.mulf %mul3A_249, %add3A_238 : vector<256x256xf32>
      %reduce_sum3A_251 = arith.constant dense<0.000000e+00> : vector<256xf32>
      %reduce_sum3A_252 = vector.multi_reduction <add>, %mul3A_250, %reduce_sum3A_251 [0] : vector<256x256xf32> to vector<256xf32>
      %broadcast_in_dim3A_253 = vector.shape_cast %reduce_sum3A_252 : vector<256xf32> to vector<1x256xf32>
      %mul3A_254 = arith.constant 2.000000e+00 : f32
      %mul3A_255 = vector.broadcast %mul3A_254 : f32 to vector<1x256xf32>
      %mul3A_256 = arith.mulf %mul3A_255, %broadcast_in_dim3A_253 : vector<1x256xf32>
      %sub3A_257 = arith.subf %broadcast_in_dim3A_245, %mul3A_256 : vector<1x256xf32>
      %swap3A_258 = arith.constant 0 : index
      %swap3A_259 = arith.index_cast %multiple_of3A : i32 to index
      %swap3A_260 = vector.load %arg11[%swap3A_258, %swap3A_259] : memref<1x4096xf32, #tpu.memory_space<vmem>>, vector<1x256xf32>
      tpu.vector_store %arg11[%swap3A_258, %swap3A_259], %sub3A_257 {strides = array<i32>} : memref<1x4096xf32, #tpu.memory_space<vmem>>, vector<1x256xf32>,
    } else {
    }
    %not3A = arith.constant true
    %not3A_78 = arith.xori %and3A_60, %not3A : i1
    %convert_element_type3A_79 = arith.extui %not3A_78 : i1 to i32
    %cond3A_80 = arith.constant 0 : i32
    %cond3A_81 = arith.cmpi ne, %convert_element_type3A_79, %cond3A_80 : i32
    scf.if %cond3A_81 {
      %add3A_186 = vector.broadcast %reduce_sum3A_30 : f32 to vector<1x4096xf32>
      %add3A_187 = arith.addf %get3A_33, %add3A_186 : vector<1x4096xf32>
      %max3A_188 = arith.constant 0.000000e+00 : f32
      %max3A_189 = vector.broadcast %max3A_188 : f32 to vector<1x4096xf32>
      %max3A_190 = arith.maximumf %add3A_187, %max3A_189 : vector<1x4096xf32>
      %shift_right_arithmetic3A_191 = arith.constant 6 : i32
      %shift_right_arithmetic3A_192 = vector.broadcast %shift_right_arithmetic3A_191 : i32 to vector<1x4096xi32>
      %shift_right_arithmetic3A_193 = arith.shrsi %iota3A, %shift_right_arithmetic3A_192 : vector<1x4096xi32>
      %and3A_194 = arith.constant 63 : i32
      %and3A_195 = vector.broadcast %and3A_194 : i32 to vector<1x4096xi32>
      %and3A_196 = arith.andi %iota3A, %and3A_195 : vector<1x4096xi32>
      %sub3A_197 = vector.broadcast %shift_right_arithmetic3A_47 : i32 to vector<1x4096xi32>
      %sub3A_198 = arith.subi %sub3A_197, %shift_right_arithmetic3A_193 : vector<1x4096xi32>
      %abs3A = math.absi %sub3A_198 : vector<1x4096xi32>
      %sub3A_199 = vector.broadcast %and3A_48 : i32 to vector<1x4096xi32>
      %sub3A_200 = arith.subi %sub3A_199, %and3A_196 : vector<1x4096xi32>
      %abs3A_201 = math.absi %sub3A_200 : vector<1x4096xi32>
      %add3A_202 = arith.addi %abs3A, %abs3A_201 : vector<1x4096xi32>
      %convert_element_type3A_203 = arith.sitofp %add3A_202 : vector<1x4096xi32> to vector<1x4096xf32>
      %eq3A_204 = arith.constant 0.000000e+00 : f32
      %eq3A_205 = arith.cmpf oeq, %max3A_49, %eq3A_204 : f32
      %broadcast_in_dim3A_206 = arith.constant 0.000000e+00 : f32
      %broadcast_in_dim3A_207 = vector.broadcast %broadcast_in_dim3A_206 : f32 to vector<1x4096xf32>
      %mul3A_208 = arith.mulf %convert_element_type3A_203, %convert_element_type3A_203 : vector<1x4096xf32>
      %neg3A = arith.constant 0.000000e+00 : f32
      %neg3A_209 = vector.broadcast %neg3A : f32 to vector<1x4096xf32>
      %neg3A_210 = arith.subf %neg3A_209, %mul3A_208 : vector<1x4096xf32>
      %div3A = vector.broadcast %mul3A_50 : f32 to vector<1x4096xf32>
      %div3A_211 = arith.divf %neg3A_210, %div3A : vector<1x4096xf32>
      %exp3A = math.exp %div3A_211 : vector<1x4096xf32>
      %select_n3A_212 = arith.select %eq3A_205, %broadcast_in_dim3A_207, %exp3A : vector<1x4096xf32>
      %sqrt3A_213 = math.sqrt %max3A_190 : vector<1x4096xf32>
      %mul3A_214 = arith.mulf %sqrt3A_213, %select_n3A_212 : vector<1x4096xf32>
      %mul3A_215 = vector.broadcast %get3A_20 : f32 to vector<1x4096xf32>
      %mul3A_216 = arith.mulf %mul3A_215, %mul3A_214 : vector<1x4096xf32>
      %sub3A_217 = vector.broadcast %slice3A : vector<256x1xf32> to vector<256x4096xf32>
      %sub3A_218 = arith.subf %sub3A_217, %get3A_26 : vector<256x4096xf32>
      %mul3A_219 = vector.broadcast %mul3A_216 : vector<1x4096xf32> to vector<256x4096xf32>
      %mul3A_220 = arith.mulf %mul3A_219, %sub3A_218 : vector<256x4096xf32>
      %add3A_221 = arith.addf %get3A_26, %mul3A_220 : vector<256x4096xf32>
      %swap3A_222 = arith.constant 0 : index
      %swap3A_223 = arith.constant 0 : index
      %swap3A_224 = vector.load %arg9[%swap3A_222, %swap3A_223] : memref<256x4096xf32, #tpu.memory_space<vmem>>, vector<256x4096xf32>
      tpu.vector_store %arg9[%swap3A_222, %swap3A_223], %add3A_221 {strides = array<i32>} : memref<256x4096xf32, #tpu.memory_space<vmem>>, vector<256x4096xf32>,
      %mul3A_225 = arith.mulf %add3A_221, %add3A_221 : vector<256x4096xf32>
      %reduce_sum3A_226 = arith.constant dense<0.000000e+00> : vector<4096xf32>
      %reduce_sum3A_227 = vector.multi_reduction <add>, %mul3A_225, %reduce_sum3A_226 [0] : vector<256x4096xf32> to vector<4096xf32>
      %broadcast_in_dim3A_228 = vector.shape_cast %reduce_sum3A_227 : vector<4096xf32> to vector<1x4096xf32>
      %swap3A_229 = arith.constant 0 : index
      %swap3A_230 = arith.constant 0 : index
      %swap3A_231 = vector.load %arg10[%swap3A_229, %swap3A_230] : memref<1x4096xf32, #tpu.memory_space<vmem>>, vector<1x4096xf32>
      tpu.vector_store %arg10[%swap3A_229, %swap3A_230], %broadcast_in_dim3A_228 {strides = array<i32>} : memref<1x4096xf32, #tpu.memory_space<vmem>>, vector<1x4096xf32>,
      %mul3A_232 = vector.broadcast %slice3A_11 : vector<256x1xf32> to vector<256x4096xf32>
      %mul3A_233 = arith.mulf %mul3A_232, %add3A_221 : vector<256x4096xf32>
      %reduce_sum3A_234 = arith.constant dense<0.000000e+00> : vector<4096xf32>
      %reduce_sum3A_235 = vector.multi_reduction <add>, %mul3A_233, %reduce_sum3A_234 [0] : vector<256x4096xf32> to vector<4096xf32>
      %broadcast_in_dim3A_236 = vector.shape_cast %reduce_sum3A_235 : vector<4096xf32> to vector<1x4096xf32>
      %mul3A_237 = arith.constant 2.000000e+00 : f32
      %mul3A_238 = vector.broadcast %mul3A_237 : f32 to vector<1x4096xf32>
      %mul3A_239 = arith.mulf %mul3A_238, %broadcast_in_dim3A_236 : vector<1x4096xf32>
      %sub3A_240 = arith.subf %broadcast_in_dim3A_228, %mul3A_239 : vector<1x4096xf32>
      %swap3A_241 = arith.constant 0 : index
      %swap3A_242 = arith.constant 0 : index
      %swap3A_243 = vector.load %arg11[%swap3A_241, %swap3A_242] : memref<1x4096xf32, #tpu.memory_space<vmem>>, vector<1x4096xf32>
      tpu.vector_store %arg11[%swap3A_241, %swap3A_242], %sub3A_240 {strides = array<i32>} : memref<1x4096xf32, #tpu.memory_space<vmem>>, vector<1x4096xf32>,
    } else {
    }
    %swap3A_82 = arith.constant 0 : index
    %swap3A_83 = arith.constant 0 : index
    %swap3A_84 = arith.constant 0 : index
    %swap3A_85 = memref.load %arg6[%swap3A_82, %swap3A_83, %swap3A_84] : memref<1x2x2xi32, #tpu.memory_space<smem>>
    memref.store %shift_right_arithmetic3A_47, %arg6[%swap3A_82, %swap3A_83, %swap3A_84] : memref<1x2x2xi32, #tpu.memory_space<smem>>
    %swap3A_86 = arith.constant 0 : index
    %swap3A_87 = arith.constant 0 : index
    %swap3A_88 = arith.constant 1 : index
    %swap3A_89 = memref.load %arg6[%swap3A_86, %swap3A_87, %swap3A_88] : memref<1x2x2xi32, #tpu.memory_space<smem>>
    memref.store %and3A_48, %arg6[%swap3A_86, %swap3A_87, %swap3A_88] : memref<1x2x2xi32, #tpu.memory_space<smem>>
    %swap3A_90 = arith.constant 0 : index
    %swap3A_91 = arith.constant 0 : index
    %swap3A_92 = arith.constant 0 : index
    %swap3A_93 = memref.load %arg7[%swap3A_90, %swap3A_91, %swap3A_92] : memref<1x2x1xi32, #tpu.memory_space<smem>>
    memref.store %reduce_min3A_46, %arg7[%swap3A_90, %swap3A_91, %swap3A_92] : memref<1x2x1xi32, #tpu.memory_space<smem>>
    %get3A_94 = arith.constant 0 : index
    %get3A_95 = arith.constant 0 : index
    %get3A_96 = vector.load %arg9[%get3A_94, %get3A_95] : memref<256x4096xf32, #tpu.memory_space<vmem>>, vector<256x4096xf32>
    %mul3A_97 = arith.mulf %slice3A_11, %slice3A_11 : vector<256x1xf32>
    %reduce_sum3A_98 = vector.shape_cast %mul3A_97 : vector<256x1xf32> to vector<1x256x1xf32>
    %reduce_sum3A_99 = arith.constant dense<0.000000e+00> : vector<1xf32>
    %reduce_sum3A_100 = vector.multi_reduction <add>, %reduce_sum3A_98, %reduce_sum3A_99 [1, 2] : vector<1x256x1xf32> to vector<1xf32>
    %reduce_sum3A_101 = vector.shape_cast %reduce_sum3A_100 : vector<1xf32> to vector<1x1x1xf32>
    %reduce_sum3A_102 = vector.extract %reduce_sum3A_101[0, 0, 0] : f32 from vector<1x1x1xf32>
    %get3A_103 = arith.constant 0 : index
    %get3A_104 = arith.constant 0 : index
    %get3A_105 = vector.load %arg11[%get3A_103, %get3A_104] : memref<1x4096xf32, #tpu.memory_space<vmem>>, vector<1x4096xf32>
    %swap3A_106 = arith.constant 0 : index
    %swap3A_107 = arith.constant 0 : index
    %swap3A_108 = vector.load %arg12[%swap3A_106, %swap3A_107] : memref<1x4096xf32, #tpu.memory_space<vmem>>, vector<1x4096xf32>
    tpu.vector_store %arg12[%swap3A_106, %swap3A_107], %get3A_105 {strides = array<i32>} : memref<1x4096xf32, #tpu.memory_space<vmem>>, vector<1x4096xf32>,
    %reduce_min3A_109 = vector.shape_cast %get3A_105 : vector<1x4096xf32> to vector<1x1x4096xf32>
    %reduce_min3A_110 = arith.constant dense<0x7F800000> : vector<1xf32>
    %reduce_min3A_111 = vector.multi_reduction <minimumf>, %reduce_min3A_109, %reduce_min3A_110 [1, 2] : vector<1x1x4096xf32> to vector<1xf32>
    %reduce_min3A_112 = vector.shape_cast %reduce_min3A_111 : vector<1xf32> to vector<1x1x1xf32>
    %reduce_min3A_113 = vector.extract %reduce_min3A_112[0, 0, 0] : f32 from vector<1x1x1xf32>
    %iota3A_114 = tpu.iota {dimensions = array<i32: 1>} : vector<1x4096xi32>
    %eq3A_115 = vector.broadcast %reduce_min3A_113 : f32 to vector<1x4096xf32>
    %eq3A_116 = arith.cmpf oeq, %get3A_105, %eq3A_115 : vector<1x4096xf32>
    %jit3A_117 = arith.constant 4096 : i32
    %broadcast_in_dim3A_118 = vector.broadcast %jit3A_117 : i32 to vector<1x4096xi32>
    %select_n3A_119 = arith.select %eq3A_116, %iota3A_114, %broadcast_in_dim3A_118 : vector<1x4096xi1>, vector<1x4096xi32>
    %reduce_min3A_120 = vector.shape_cast %select_n3A_119 : vector<1x4096xi32> to vector<1x1x4096xi32>
    %reduce_min3A_121 = arith.constant dense<2147483647> : vector<1xi32>
    %reduce_min3A_122 = vector.multi_reduction <minsi>, %reduce_min3A_120, %reduce_min3A_121 [1, 2] : vector<1x1x4096xi32> to vector<1xi32>
    %reduce_min3A_123 = vector.shape_cast %reduce_min3A_122 : vector<1xi32> to vector<1x1x1xi32>
    %reduce_min3A_124 = vector.extract %reduce_min3A_123[0, 0, 0] : i32 from vector<1x1x1xi32>
    %shift_right_arithmetic3A_125 = arith.constant 6 : i32
    %shift_right_arithmetic3A_126 = arith.shrsi %reduce_min3A_124, %shift_right_arithmetic3A_125 : i32
    %and3A_127 = arith.constant 63 : i32
    %and3A_128 = arith.andi %reduce_min3A_124, %and3A_127 : i32
    %add3A_129 = arith.addf %reduce_min3A_113, %reduce_sum3A_102 : f32
    %max3A_130 = arith.constant 0.000000e+00 : f32
    %max3A_131 = arith.maximumf %add3A_129, %max3A_130 : f32
    %mul3A_132 = arith.mulf %get3A_23, %max3A_131 : f32
    %mul3A_133 = arith.constant 4.000000e+01 : f32
    %mul3A_134 = arith.mulf %mul3A_133, %mul3A_132 : f32
    %sqrt3A_135 = math.sqrt %mul3A_134 : f32
    %convert_element_type3A_136 = arith.fptosi %sqrt3A_135 : f32 to i32
    %gt3A_137 = arith.constant 0.000000e+00 : f32
    %gt3A_138 = arith.cmpf ogt, %max3A_131, %gt3A_137 : f32
    %mul3A_139 = arith.constant 2 : i32
    %mul3A_140 = arith.muli %mul3A_139, %convert_element_type3A_136 : i32
    %add3A_141 = arith.constant 2 : i32
    %add3A_142 = arith.addi %mul3A_140, %add3A_141 : i32
    %le3A_143 = arith.constant 4 : i32
    %le3A_144 = arith.cmpi sle, %add3A_142, %le3A_143 : i32
    %and3A_145 = arith.andi %gt3A_138, %le3A_144 : i1
    %mul3A_146 = vector.broadcast %slice3A_17 : vector<256x1xf32> to vector<256x4096xf32>
    %mul3A_147 = arith.mulf %mul3A_146, %get3A_96 : vector<256x4096xf32>
    %reduce_sum3A_148 = arith.constant dense<0.000000e+00> : vector<4096xf32>
    %reduce_sum3A_149 = vector.multi_reduction <add>, %mul3A_147, %reduce_sum3A_148 [0] : vector<256x4096xf32> to vector<4096xf32>
    %broadcast_in_dim3A_150 = vector.shape_cast %reduce_sum3A_149 : vector<4096xf32> to vector<1x4096xf32>
    %get3A_151 = arith.constant 0 : index
    %get3A_152 = arith.constant 0 : index
    %get3A_153 = vector.load %arg10[%get3A_151, %get3A_152] : memref<1x4096xf32, #tpu.memory_space<vmem>>, vector<1x4096xf32>
    %mul3A_154 = arith.constant 2.000000e+00 : f32
    %mul3A_155 = vector.broadcast %mul3A_154 : f32 to vector<1x4096xf32>
    %mul3A_156 = arith.mulf %mul3A_155, %broadcast_in_dim3A_150 : vector<1x4096xf32>
    %sub3A_157 = arith.subf %get3A_153, %mul3A_156 : vector<1x4096xf32>
    %swap3A_158 = arith.constant 0 : index
    %swap3A_159 = arith.constant 0 : index
    %swap3A_160 = vector.load %arg11[%swap3A_158, %swap3A_159] : memref<1x4096xf32, #tpu.memory_space<vmem>>, vector<1x4096xf32>
    tpu.vector_store %arg11[%swap3A_158, %swap3A_159], %sub3A_157 {strides = array<i32>} : memref<1x4096xf32, #tpu.memory_space<vmem>>, vector<1x4096xf32>,
    %convert_element_type3A_161 = arith.extui %and3A_145 : i1 to i32
    %cond3A_162 = arith.constant 0 : i32
    %cond3A_163 = arith.cmpi ne, %convert_element_type3A_161, %cond3A_162 : i32
    scf.if %cond3A_163 {
      %sub3A_186 = arith.subi %shift_right_arithmetic3A_126, %convert_element_type3A_136 : i32
      %jit3A_187 = arith.constant 0 : i32
      %jit3A_188 = arith.constant 60 : i32
      %max3A_189 = arith.maxsi %jit3A_187, %sub3A_186 : i32
      %min3A = arith.minsi %jit3A_188, %max3A_189 : i32
      %and3A_190 = arith.constant -2 : i32
      %and3A_191 = arith.andi %min3A, %and3A_190 : i32
      %mul3A_192 = arith.constant 64 : i32
      %mul3A_193 = arith.muli %and3A_191, %mul3A_192 : i32
      %multiple_of3A = tpu.assume_multiple %mul3A_193, 128 : i32
      %iota3A_194 = tpu.iota {dimensions = array<i32: 1>} : vector<1x256xi32>
      %add3A_195 = vector.broadcast %multiple_of3A : i32 to vector<1x256xi32>
      %add3A_196 = arith.addi %iota3A_194, %add3A_195 : vector<1x256xi32>
      %get3A_197 = arith.constant 0 : index
      %get3A_198 = arith.index_cast %multiple_of3A : i32 to index
      %get3A_199 = vector.load %arg9[%get3A_197, %get3A_198] : memref<256x4096xf32, #tpu.memory_space<vmem>>, vector<256x256xf32>
      %get3A_200 = arith.constant 0 : index
      %get3A_201 = arith.index_cast %multiple_of3A : i32 to index
      %get3A_202 = vector.load %arg12[%get3A_200, %get3A_201] : memref<1x4096xf32, #tpu.memory_space<vmem>>, vector<1x256xf32>
      %add3A_203 = vector.broadcast %reduce_sum3A_102 : f32 to vector<1x256xf32>
      %add3A_204 = arith.addf %get3A_202, %add3A_203 : vector<1x256xf32>
      %max3A_205 = arith.constant 0.000000e+00 : f32
      %max3A_206 = vector.broadcast %max3A_205 : f32 to vector<1x256xf32>
      %max3A_207 = arith.maximumf %add3A_204, %max3A_206 : vector<1x256xf32>
      %shift_right_arithmetic3A_208 = arith.constant 6 : i32
      %shift_right_arithmetic3A_209 = vector.broadcast %shift_right_arithmetic3A_208 : i32 to vector<1x256xi32>
      %shift_right_arithmetic3A_210 = arith.shrsi %add3A_196, %shift_right_arithmetic3A_209 : vector<1x256xi32>
      %and3A_211 = arith.constant 63 : i32
      %and3A_212 = vector.broadcast %and3A_211 : i32 to vector<1x256xi32>
      %and3A_213 = arith.andi %add3A_196, %and3A_212 : vector<1x256xi32>
      %sub3A_214 = vector.broadcast %shift_right_arithmetic3A_126 : i32 to vector<1x256xi32>
      %sub3A_215 = arith.subi %sub3A_214, %shift_right_arithmetic3A_210 : vector<1x256xi32>
      %abs3A = math.absi %sub3A_215 : vector<1x256xi32>
      %sub3A_216 = vector.broadcast %and3A_128 : i32 to vector<1x256xi32>
      %sub3A_217 = arith.subi %sub3A_216, %and3A_213 : vector<1x256xi32>
      %abs3A_218 = math.absi %sub3A_217 : vector<1x256xi32>
      %add3A_219 = arith.addi %abs3A, %abs3A_218 : vector<1x256xi32>
      %convert_element_type3A_220 = arith.sitofp %add3A_219 : vector<1x256xi32> to vector<1x256xf32>
      %eq3A_221 = arith.constant 0.000000e+00 : f32
      %eq3A_222 = arith.cmpf oeq, %max3A_131, %eq3A_221 : f32
      %broadcast_in_dim3A_223 = arith.constant 0.000000e+00 : f32
      %broadcast_in_dim3A_224 = vector.broadcast %broadcast_in_dim3A_223 : f32 to vector<1x256xf32>
      %mul3A_225 = arith.mulf %convert_element_type3A_220, %convert_element_type3A_220 : vector<1x256xf32>
      %neg3A = arith.constant 0.000000e+00 : f32
      %neg3A_226 = vector.broadcast %neg3A : f32 to vector<1x256xf32>
      %neg3A_227 = arith.subf %neg3A_226, %mul3A_225 : vector<1x256xf32>
      %div3A = vector.broadcast %mul3A_132 : f32 to vector<1x256xf32>
      %div3A_228 = arith.divf %neg3A_227, %div3A : vector<1x256xf32>
      %exp3A = math.exp %div3A_228 : vector<1x256xf32>
      %select_n3A_229 = arith.select %eq3A_222, %broadcast_in_dim3A_224, %exp3A : vector<1x256xf32>
      %sqrt3A_230 = math.sqrt %max3A_207 : vector<1x256xf32>
      %mul3A_231 = arith.mulf %sqrt3A_230, %select_n3A_229 : vector<1x256xf32>
      %mul3A_232 = vector.broadcast %get3A_20 : f32 to vector<1x256xf32>
      %mul3A_233 = arith.mulf %mul3A_232, %mul3A_231 : vector<1x256xf32>
      %sub3A_234 = vector.broadcast %slice3A_11 : vector<256x1xf32> to vector<256x256xf32>
      %sub3A_235 = arith.subf %sub3A_234, %get3A_199 : vector<256x256xf32>
      %mul3A_236 = vector.broadcast %mul3A_233 : vector<1x256xf32> to vector<256x256xf32>
      %mul3A_237 = arith.mulf %mul3A_236, %sub3A_235 : vector<256x256xf32>
      %add3A_238 = arith.addf %get3A_199, %mul3A_237 : vector<256x256xf32>
      %swap3A_239 = arith.constant 0 : index
      %swap3A_240 = arith.index_cast %multiple_of3A : i32 to index
      %swap3A_241 = vector.load %arg9[%swap3A_239, %swap3A_240] : memref<256x4096xf32, #tpu.memory_space<vmem>>, vector<256x256xf32>
      tpu.vector_store %arg9[%swap3A_239, %swap3A_240], %add3A_238 {strides = array<i32>} : memref<256x4096xf32, #tpu.memory_space<vmem>>, vector<256x256xf32>,
      %mul3A_242 = arith.mulf %add3A_238, %add3A_238 : vector<256x256xf32>
      %reduce_sum3A_243 = arith.constant dense<0.000000e+00> : vector<256xf32>
      %reduce_sum3A_244 = vector.multi_reduction <add>, %mul3A_242, %reduce_sum3A_243 [0] : vector<256x256xf32> to vector<256xf32>
      %broadcast_in_dim3A_245 = vector.shape_cast %reduce_sum3A_244 : vector<256xf32> to vector<1x256xf32>
      %swap3A_246 = arith.constant 0 : index
      %swap3A_247 = arith.index_cast %multiple_of3A : i32 to index
      %swap3A_248 = vector.load %arg10[%swap3A_246, %swap3A_247] : memref<1x4096xf32, #tpu.memory_space<vmem>>, vector<1x256xf32>
      tpu.vector_store %arg10[%swap3A_246, %swap3A_247], %broadcast_in_dim3A_245 {strides = array<i32>} : memref<1x4096xf32, #tpu.memory_space<vmem>>, vector<1x256xf32>,
      %mul3A_249 = vector.broadcast %slice3A_17 : vector<256x1xf32> to vector<256x256xf32>
      %mul3A_250 = arith.mulf %mul3A_249, %add3A_238 : vector<256x256xf32>
      %reduce_sum3A_251 = arith.constant dense<0.000000e+00> : vector<256xf32>
      %reduce_sum3A_252 = vector.multi_reduction <add>, %mul3A_250, %reduce_sum3A_251 [0] : vector<256x256xf32> to vector<256xf32>
      %broadcast_in_dim3A_253 = vector.shape_cast %reduce_sum3A_252 : vector<256xf32> to vector<1x256xf32>
      %mul3A_254 = arith.constant 2.000000e+00 : f32
      %mul3A_255 = vector.broadcast %mul3A_254 : f32 to vector<1x256xf32>
      %mul3A_256 = arith.mulf %mul3A_255, %broadcast_in_dim3A_253 : vector<1x256xf32>
      %sub3A_257 = arith.subf %broadcast_in_dim3A_245, %mul3A_256 : vector<1x256xf32>
      %swap3A_258 = arith.constant 0 : index
      %swap3A_259 = arith.index_cast %multiple_of3A : i32 to index
      %swap3A_260 = vector.load %arg11[%swap3A_258, %swap3A_259] : memref<1x4096xf32, #tpu.memory_space<vmem>>, vector<1x256xf32>
      tpu.vector_store %arg11[%swap3A_258, %swap3A_259], %sub3A_257 {strides = array<i32>} : memref<1x4096xf32, #tpu.memory_space<vmem>>, vector<1x256xf32>,
    } else {
    }
    %not3A_164 = arith.constant true
    %not3A_165 = arith.xori %and3A_145, %not3A_164 : i1
    %convert_element_type3A_166 = arith.extui %not3A_165 : i1 to i32
    %cond3A_167 = arith.constant 0 : i32
    %cond3A_168 = arith.cmpi ne, %convert_element_type3A_166, %cond3A_167 : i32
    scf.if %cond3A_168 {
      %add3A_186 = vector.broadcast %reduce_sum3A_102 : f32 to vector<1x4096xf32>
      %add3A_187 = arith.addf %get3A_105, %add3A_186 : vector<1x4096xf32>
      %max3A_188 = arith.constant 0.000000e+00 : f32
      %max3A_189 = vector.broadcast %max3A_188 : f32 to vector<1x4096xf32>
      %max3A_190 = arith.maximumf %add3A_187, %max3A_189 : vector<1x4096xf32>
      %shift_right_arithmetic3A_191 = arith.constant 6 : i32
      %shift_right_arithmetic3A_192 = vector.broadcast %shift_right_arithmetic3A_191 : i32 to vector<1x4096xi32>
      %shift_right_arithmetic3A_193 = arith.shrsi %iota3A_114, %shift_right_arithmetic3A_192 : vector<1x4096xi32>
      %and3A_194 = arith.constant 63 : i32
      %and3A_195 = vector.broadcast %and3A_194 : i32 to vector<1x4096xi32>
      %and3A_196 = arith.andi %iota3A_114, %and3A_195 : vector<1x4096xi32>
      %sub3A_197 = vector.broadcast %shift_right_arithmetic3A_126 : i32 to vector<1x4096xi32>
      %sub3A_198 = arith.subi %sub3A_197, %shift_right_arithmetic3A_193 : vector<1x4096xi32>
      %abs3A = math.absi %sub3A_198 : vector<1x4096xi32>
      %sub3A_199 = vector.broadcast %and3A_128 : i32 to vector<1x4096xi32>
      %sub3A_200 = arith.subi %sub3A_199, %and3A_196 : vector<1x4096xi32>
      %abs3A_201 = math.absi %sub3A_200 : vector<1x4096xi32>
      %add3A_202 = arith.addi %abs3A, %abs3A_201 : vector<1x4096xi32>
      %convert_element_type3A_203 = arith.sitofp %add3A_202 : vector<1x4096xi32> to vector<1x4096xf32>
      %eq3A_204 = arith.constant 0.000000e+00 : f32
      %eq3A_205 = arith.cmpf oeq, %max3A_131, %eq3A_204 : f32
      %broadcast_in_dim3A_206 = arith.constant 0.000000e+00 : f32
      %broadcast_in_dim3A_207 = vector.broadcast %broadcast_in_dim3A_206 : f32 to vector<1x4096xf32>
      %mul3A_208 = arith.mulf %convert_element_type3A_203, %convert_element_type3A_203 : vector<1x4096xf32>
      %neg3A = arith.constant 0.000000e+00 : f32
      %neg3A_209 = vector.broadcast %neg3A : f32 to vector<1x4096xf32>
      %neg3A_210 = arith.subf %neg3A_209, %mul3A_208 : vector<1x4096xf32>
      %div3A = vector.broadcast %mul3A_132 : f32 to vector<1x4096xf32>
      %div3A_211 = arith.divf %neg3A_210, %div3A : vector<1x4096xf32>
      %exp3A = math.exp %div3A_211 : vector<1x4096xf32>
      %select_n3A_212 = arith.select %eq3A_205, %broadcast_in_dim3A_207, %exp3A : vector<1x4096xf32>
      %sqrt3A_213 = math.sqrt %max3A_190 : vector<1x4096xf32>
      %mul3A_214 = arith.mulf %sqrt3A_213, %select_n3A_212 : vector<1x4096xf32>
      %mul3A_215 = vector.broadcast %get3A_20 : f32 to vector<1x4096xf32>
      %mul3A_216 = arith.mulf %mul3A_215, %mul3A_214 : vector<1x4096xf32>
      %sub3A_217 = vector.broadcast %slice3A_11 : vector<256x1xf32> to vector<256x4096xf32>
      %sub3A_218 = arith.subf %sub3A_217, %get3A_96 : vector<256x4096xf32>
      %mul3A_219 = vector.broadcast %mul3A_216 : vector<1x4096xf32> to vector<256x4096xf32>
      %mul3A_220 = arith.mulf %mul3A_219, %sub3A_218 : vector<256x4096xf32>
      %add3A_221 = arith.addf %get3A_96, %mul3A_220 : vector<256x4096xf32>
      %swap3A_222 = arith.constant 0 : index
      %swap3A_223 = arith.constant 0 : index
      %swap3A_224 = vector.load %arg9[%swap3A_222, %swap3A_223] : memref<256x4096xf32, #tpu.memory_space<vmem>>, vector<256x4096xf32>
      tpu.vector_store %arg9[%swap3A_222, %swap3A_223], %add3A_221 {strides = array<i32>} : memref<256x4096xf32, #tpu.memory_space<vmem>>, vector<256x4096xf32>,
      %mul3A_225 = arith.mulf %add3A_221, %add3A_221 : vector<256x4096xf32>
      %reduce_sum3A_226 = arith.constant dense<0.000000e+00> : vector<4096xf32>
      %reduce_sum3A_227 = vector.multi_reduction <add>, %mul3A_225, %reduce_sum3A_226 [0] : vector<256x4096xf32> to vector<4096xf32>
      %broadcast_in_dim3A_228 = vector.shape_cast %reduce_sum3A_227 : vector<4096xf32> to vector<1x4096xf32>
      %swap3A_229 = arith.constant 0 : index
      %swap3A_230 = arith.constant 0 : index
      %swap3A_231 = vector.load %arg10[%swap3A_229, %swap3A_230] : memref<1x4096xf32, #tpu.memory_space<vmem>>, vector<1x4096xf32>
      tpu.vector_store %arg10[%swap3A_229, %swap3A_230], %broadcast_in_dim3A_228 {strides = array<i32>} : memref<1x4096xf32, #tpu.memory_space<vmem>>, vector<1x4096xf32>,
      %mul3A_232 = vector.broadcast %slice3A_17 : vector<256x1xf32> to vector<256x4096xf32>
      %mul3A_233 = arith.mulf %mul3A_232, %add3A_221 : vector<256x4096xf32>
      %reduce_sum3A_234 = arith.constant dense<0.000000e+00> : vector<4096xf32>
      %reduce_sum3A_235 = vector.multi_reduction <add>, %mul3A_233, %reduce_sum3A_234 [0] : vector<256x4096xf32> to vector<4096xf32>
      %broadcast_in_dim3A_236 = vector.shape_cast %reduce_sum3A_235 : vector<4096xf32> to vector<1x4096xf32>
      %mul3A_237 = arith.constant 2.000000e+00 : f32
      %mul3A_238 = vector.broadcast %mul3A_237 : f32 to vector<1x4096xf32>
      %mul3A_239 = arith.mulf %mul3A_238, %broadcast_in_dim3A_236 : vector<1x4096xf32>
      %sub3A_240 = arith.subf %broadcast_in_dim3A_228, %mul3A_239 : vector<1x4096xf32>
      %swap3A_241 = arith.constant 0 : index
      %swap3A_242 = arith.constant 0 : index
      %swap3A_243 = vector.load %arg11[%swap3A_241, %swap3A_242] : memref<1x4096xf32, #tpu.memory_space<vmem>>, vector<1x4096xf32>
      tpu.vector_store %arg11[%swap3A_241, %swap3A_242], %sub3A_240 {strides = array<i32>} : memref<1x4096xf32, #tpu.memory_space<vmem>>, vector<1x4096xf32>,
    } else {
    }
    %swap3A_169 = arith.constant 0 : index
    %swap3A_170 = arith.constant 1 : index
    %swap3A_171 = arith.constant 0 : index
    %swap3A_172 = memref.load %arg6[%swap3A_169, %swap3A_170, %swap3A_171] : memref<1x2x2xi32, #tpu.memory_space<smem>>
    memref.store %shift_right_arithmetic3A_126, %arg6[%swap3A_169, %swap3A_170, %swap3A_171] : memref<1x2x2xi32, #tpu.memory_space<smem>>
    %swap3A_173 = arith.constant 0 : index
    %swap3A_174 = arith.constant 1 : index
    %swap3A_175 = arith.constant 1 : index
    %swap3A_176 = memref.load %arg6[%swap3A_173, %swap3A_174, %swap3A_175] : memref<1x2x2xi32, #tpu.memory_space<smem>>
    memref.store %and3A_128, %arg6[%swap3A_173, %swap3A_174, %swap3A_175] : memref<1x2x2xi32, #tpu.memory_space<smem>>
    %swap3A_177 = arith.constant 0 : index
    %swap3A_178 = arith.constant 1 : index
    %swap3A_179 = arith.constant 0 : index
    %swap3A_180 = memref.load %arg7[%swap3A_177, %swap3A_178, %swap3A_179] : memref<1x2x1xi32, #tpu.memory_space<smem>>
    memref.store %reduce_min3A_124, %arg7[%swap3A_177, %swap3A_178, %swap3A_179] : memref<1x2x1xi32, #tpu.memory_space<smem>>
    %eq3A_181 = arith.constant 255 : i32
    %eq3A_182 = arith.cmpi eq, %arg0, %eq3A_181 : i32
    %convert_element_type3A_183 = arith.extui %eq3A_182 : i1 to i32
    %cond3A_184 = arith.constant 0 : i32
    %cond3A_185 = arith.cmpi ne, %convert_element_type3A_183, %cond3A_184 : i32
    scf.if %cond3A_185 {
      %get3A_186 = arith.constant 0 : index
      %get3A_187 = arith.constant 0 : index
      %get3A_188 = vector.load %arg9[%get3A_186, %get3A_187] : memref<256x4096xf32, #tpu.memory_space<vmem>>, vector<256x4096xf32>
      %transpose3A = tpu.transpose %get3A_188, [1, 0] : vector<256x4096xf32> -> vector<4096x256xf32>
      %swap3A_189 = arith.constant 0 : index
      %swap3A_190 = arith.constant 0 : index
      %swap3A_191 = vector.load %arg8[%swap3A_189, %swap3A_190] : memref<4096x256xf32, #tpu.memory_space<vmem>>, vector<4096x256xf32>
      tpu.vector_store %arg8[%swap3A_189, %swap3A_190], %transpose3A {strides = array<i32>} : memref<4096x256xf32, #tpu.memory_space<vmem>>, vector<4096x256xf32>,
    } else {
    }
    return
  }
  func.func @transform_0(%arg0: i32) -> (i32, i32, i32) {
    %c0_i32 = arith.constant 0 : i32
    %c0_i32_0 = arith.constant 0 : i32
    %c0_i32_1 = arith.constant 0 : i32
    return %arg0, %c0_i32, %c0_i32_0 : i32, i32, i32
  }
  func.func @transform_1(%arg0: i32) -> (i32, i32, i32) {
    %add3A = arith.constant 1 : i32
    %add3A_0 = arith.addi %arg0, %add3A : i32
    %min3A = arith.constant 255 : i32
    %min3A_1 = arith.minsi %add3A_0, %min3A : i32
    %c0_i32 = arith.constant 0 : i32
    %c0_i32_2 = arith.constant 0 : i32
    %c0_i32_3 = arith.constant 0 : i32
    return %min3A_1, %c0_i32, %c0_i32_2 : i32, i32, i32
  }
  func.func @transform_2(%arg0: i32) -> (i32, i32) {
    %c0_i32 = arith.constant 0 : i32
    %c0_i32_0 = arith.constant 0 : i32
    %c0_i32_1 = arith.constant 0 : i32
    return %c0_i32, %c0_i32_0 : i32, i32
  }
  func.func @transform_3(%arg0: i32) -> (i32, i32) {
    %c0_i32 = arith.constant 0 : i32
    %c0_i32_0 = arith.constant 0 : i32
    %c0_i32_1 = arith.constant 0 : i32
    return %c0_i32, %c0_i32_0 : i32, i32
  }
  func.func @transform_4(%arg0: i32) -> (i32, i32) {
    %c0_i32 = arith.constant 0 : i32
    %c0_i32_0 = arith.constant 0 : i32
    %c0_i32_1 = arith.constant 0 : i32
    return %c0_i32, %c0_i32_0 : i32, i32
  }
  func.func @transform_5(%arg0: i32) -> (i32, i32, i32) {
    %c0_i32 = arith.constant 0 : i32
    %c0_i32_0 = arith.constant 0 : i32
    %c0_i32_1 = arith.constant 0 : i32
    return %arg0, %c0_i32, %c0_i32_0 : i32, i32, i32
  }
  func.func @transform_6(%arg0: i32) -> (i32, i32, i32) {
    %c0_i32 = arith.constant 0 : i32
    %c0_i32_0 = arith.constant 0 : i32
    %c0_i32_1 = arith.constant 0 : i32
    return %arg0, %c0_i32, %c0_i32_0 : i32, i32, i32
  }
  func.func @transform_7(%arg0: i32) -> (i32, i32) {
    %c0_i32 = arith.constant 0 : i32
    %c0_i32_0 = arith.constant 0 : i32
    %c0_i32_1 = arith.constant 0 : i32
    return %c0_i32, %c0_i32_0 : i32, i32
  }
}

</mosaic_0001>

<sc_bundles>
// kernel: kernel.4.cloned.1.call-start
scs
__scs_entry_jumppad:
0x0: {  	(pc) =	sbr.rel $0x88, $3  }
0x1: {  	(tag) =	ssettag $0x0;
	lr =	simm.s32 $0x1  }
0x2: {  	[smem:$0x3F9D] =	sst lr;
	_ =	strace $0xD0000000  }
0x3: {  	_ = 	snop  }
0x4: {  	_ = 	snop  }
0x5: {  	_ = 	snop  }
0x6: {  	_ = 	snop  }
0x7: {  	_ = 	snop  }
__scs_overlays_trampoline_lowered:
0x8: {  	[smem:$0x3FAC] =	sst s0  }
0x9: {  	[smem:$0x3FAD] =	sst s1  }
0xa: {  	[smem:$0x3FAE] =	sst s2  }
0xb: {  	[smem:$0x3FAF] =	sst s3  }
0xc: {  	[smem:$0x3FB0] =	sst s4  }
0xd: {  	[smem:$0x3FB1] =	sst s5  }
0xe: {  	[smem:$0x3FB2] =	sst s6  }
0xf: {  	[smem:$0x3FB3] =	sst s7  }
0x10: {  	[smem:$0x3FB4] =	sst s8  }
0x11: {  	[smem:$0x3FB5] =	sst s9;
	s0 =	simm.s32 @!p0 $0x0  }
0x12: {  	s1 =	sld [smem:$0x3F9B];
	s0 =	simm.s32 @p0 $0x1  }
0x13: {  	[smem:$0x3FB6] =	sst s0;
	s0 =	simm.s32 @!p1 $0x0  }
0x14: {  	s2 =	sld [smem:$0x3F9A];
	s0 =	simm.s32 @p1 $0x1  }
0x15: {  	[smem:$0x3FB7] =	sst s0;
	s0 =	simm.s32 @!p2 $0x0  }
0x16: {  	s3 =	sld [smem:$0x3FDB];
	s0 =	simm.s32 @p2 $0x1  }
0x17: {  	s4 =	simm.s32 $0x1BF5;
	[smem:$0x3FB9] =	sst s0  }
0x18: {  	s0 =	sld [smem:$0x3F9C];
	_ =	swait.ge [sflag:s4], $0x0  }
0x19: {  	s7 =	sld [smem:$0x3F9D]  }
0x1a: {  	s8 =	sadd.s32 $0xFFFFE003, lr  }
0x1b: {  	s9 =	sadd.s32 $0xFFFFFEF7, lr;
	s5 =	simm.s32 $0xFFFFFFFF;
	p2 =	slt.u32 s8, $0xFFFFF086  }
0x1c: {  	p1 =	slt.u32 s9, $0xF7A;
	s5 =	simm.s32 @!p2 $0x0  }
0x1d: {  	s5 =	simm.s32 @p1 $0x1;
	p0 =	seq.s32 s7, s2  }
0x1e: {  	s7 =	smul.u32 @!p0 $0xF7A, s2;
	p2 =	seq.s32 @!p0 s5, $0x0  }
0x1f: {  	s9 =	smul.u32 $0xF7A, s1;
	s8 =	simm.s32 @!p0 $0x1BF5;
	p2 =	por !p2, p0  }
0x20: {  	[sflag:s8] =	ssyncset.s32 @!p0 $0xFFFFF086;
	s6 =	sadd.s32 @!p0 s3, s7;
	s7 =	simm.s32 @!p0 $0x108  }
0x21: {  	s3 =	sadd.s32 s3, s9;
	s6 =	sadd.s32 @!p0 $0x88, s6;
	s7 =	simm.s32 @p2 $0x1082  }
0x22: {  	[simem:s7], [sflag:s8] =	dma.local @!p0 [hbm:s6], $0xF7A  }
0x23: {  	s9 =	sor.u32 $0xD0000000, s2;
	s6 =	simm.s32 $0x108;
	_ =	swait.ge @!p0 [sflag:s8], $0x0  }
0x24: {  	s3 =	sadd.s32 $0x88, s3;
	s6 =	simm.s32 @!p1 $0x1082;
	[sflag:s4] =	ssyncset.s32 $0xFFFFF086  }
0x25: {  	[simem:s6], [sflag:s4] =	dma.local [hbm:s3], $0xF7A  }
0x26: {  	[smem:$0x3F9D] =	sst s1;
	(tag) =	ssettag s2;
	_ =	strace s9  }
0x27: {  	s1 =	sld [smem:$0x3FAD]  }
0x28: {  	s2 =	sld [smem:$0x3FAE]  }
0x29: {  	s4 =	sld [smem:$0x3FB0]  }
0x2a: {  	p0 =	seq.s32 s5, $0x0;
	s5 =	sld [smem:$0x3FB1]  }
0x2b: {  	s6 =	sld [smem:$0x3FB2]  }
0x2c: {  	s7 =	sld [smem:$0x3FB3]  }
0x2d: {  	s3 =	simm.s32 $0x108;
	s8 =	sld [smem:$0x3FB4]  }
0x2e: {  	s3 =	simm.s32 @!p0 $0x1082;
	s9 =	sld [smem:$0x3FB5]  }
0x2f: {  	lr =	sadd.s32 s0, s3;
	s0 =	sld [smem:$0x3FAC]  }
0x30: {  	s3 =	sld [smem:$0x3FAF]  }
0x31: {  	[smem:$0x3FB8] =	sst s10  }
0x32: {  	s10 =	sld [smem:$0x3FB6];
	_ =	sdelay $0x3  }
0x33: {  	p0 =	seq.s32 s10, $0x1;
	s10 =	sld [smem:$0x3FB8];
	_ =	sdelay $0x3  }
0x34: {  	[smem:$0x3FB8] =	sst s10  }
0x35: {  	s10 =	sld [smem:$0x3FB7];
	_ =	sdelay $0x3  }
0x36: {  	p1 =	seq.s32 s10, $0x1;
	s10 =	sld [smem:$0x3FB8];
	_ =	sdelay $0x3  }
0x37: {  	[smem:$0x3FB8] =	sst s10  }
0x38: {  	s10 =	sld [smem:$0x3FB9]  }
0x39: {  	_ = 	snop;
	(pc) =	sbr.ind lr, $3  }
0x3a: {  	_ = 	snop  }
0x3b: {  	_ = 	snop  }
0x3c: {  	p2 =	seq.s32 s10, $0x1;
	s10 =	sld [smem:$0x3FB8]  }
0x3d: {  	_ =	shalt  }
0x3e: {  	_ =	shalt  }
0x3f: {  	_ =	shalt  }
0x40: {  	_ =	shalt  }
0x41: {  	_ =	shalt  }
0x42: {  	_ =	shalt  }
0x43: {  	_ =	shalt  }
0x44: {  	_ =	shalt  }
0x45: {  	_ =	shalt  }
0x46: {  	_ =	shalt  }
0x47: {  	_ =	shalt  }
0x48: {  	_ =	shalt  }
0x49: {  	_ =	shalt  }
0x4a: {  	_ =	shalt  }
0x4b: {  	_ =	shalt  }
0x4c: {  	_ =	shalt  }
0x4d: {  	_ =	shalt  }
0x4e: {  	_ =	shalt  }
0x4f: {  	_ =	shalt  }
0x50: {  	_ =	shalt  }
0x51: {  	_ =	shalt  }
0x52: {  	_ =	shalt  }
0x53: {  	_ =	shalt  }
0x54: {  	_ =	shalt  }
0x55: {  	_ =	shalt  }
0x56: {  	_ =	shalt  }
0x57: {  	_ =	shalt  }
0x58: {  	_ =	shalt  }
0x59: {  	_ =	shalt  }
0x5a: {  	_ =	shalt  }
0x5b: {  	_ =	shalt  }
0x5c: {  	_ =	shalt  }
0x5d: {  	_ =	shalt  }
0x5e: {  	_ =	shalt  }
0x5f: {  	_ =	shalt  }
0x60: {  	_ =	shalt  }
0x61: {  	_ =	shalt  }
0x62: {  	_ =	shalt  }
0x63: {  	_ =	shalt  }
0x64: {  	_ =	shalt  }
0x65: {  	_ =	shalt  }
0x66: {  	_ =	shalt  }
0x67: {  	_ =	shalt  }
0x68: {  	_ =	shalt  }
0x69: {  	_ =	shalt  }
0x6a: {  	_ =	shalt  }
0x6b: {  	_ =	shalt  }
0x6c: {  	_ =	shalt  }
0x6d: {  	_ =	shalt  }
0x6e: {  	_ =	shalt  }
0x6f: {  	_ =	shalt  }
0x70: {  	_ =	shalt  }
0x71: {  	_ =	shalt  }
0x72: {  	_ =	shalt  }
0x73: {  	_ =	shalt  }
0x74: {  	_ =	shalt  }
0x75: {  	_ =	shalt  }
0x76: {  	_ =	shalt  }
0x77: {  	_ =	shalt  }
0x78: {  	_ =	shalt  }
0x79: {  	_ =	shalt  }
0x7a: {  	_ =	shalt  }
0x7b: {  	_ =	shalt  }
0x7c: {  	_ =	shalt  }
0x7d: {  	_ =	shalt  }
0x7e: {  	_ =	shalt  }
0x7f: {  	_ =	shalt  }
0x80: {  	_ =	shalt  }
0x81: {  	_ =	shalt  }
0x82: {  	_ =	shalt  }
0x83: {  	_ =	shalt  }
0x84: {  	_ =	shalt  }
0x85: {  	_ =	shalt  }
0x86: {  	_ =	shalt  }
0x87: {  	_ =	shalt  }
.Lfunc_end0:
.L_simem_size_0:
called_computation_lowered:
.L_overlay_start_0:
0x88: {  	s2 =	sld [smem:$0x3FD9]  }
0x89: {  	s3 =	sld [smem:$0x3FFE];
	_ =	sdelay $0x1  }
0x8a: {  	s1 =	srdreg.scid  }
0x8b: {  	s0 =	sand.u32 $0x1, s1  }
0x8c: {  	s14 =	sshll.u32 s0, $0xA;
	s2 =	sadd.s32 s3, s2  }
0x8d: {  	s2 =	sadd.s32 s2, s14  }
0x8e: {  	[smem:$0x3FC4] =	sst s2  }
0x8f: {  	_ = 	snop  }
0x90: {  	s2 =	sld [smem:$0x3FD0];
	_ =	sdelay $0x2  }
0x91: {  	s15 =	simm.s32 $0xA;
	s4 =	simm.s32 $0x10  }
0x92: {  	[smem:s4], [sflag:s15] =	dma.local [hbm:s2], $0x1  }
0x93: {  	_ =	swait.eq [sflag:s15], $0x1  }
0x94: {  	[sflag:s15] =	ssyncset.done $0x0  }
0x95: {  	[sflag:s15] =	ssyncadd.s32 $0xFFFFFFFF  }
0x96: {  	s16 =	sld [smem:$0x11];
	(tm) =	ssettm $0x1  }
0x97: {  	s17 =	sld [smem:$0x3FFB];
	_ =	sdelay $0x3  }
0x98: {  	_ =	strace s17  }
0x99: {  	s3 =	sld [smem:$0x3FFC];
	_ =	sdelay $0x3  }
0x9a: {  	_ =	strace s3  }
0x9b: {  	s3 =	sld [smem:$0x3FFD];
	_ =	sdelay $0x3  }
0x9c: {  	_ =	strace s3  }
0x9d: {  	_ =	strace $0x8FFFFFFF  }
0x9e: {  	s18 =	sld [smem:$0x3FDB];
	_ =	sdelay $0x1  }
0x9f: {  	s19 =	simm.s32 $_scs_section_size  }
0xa0: {  	s5 =	simm.s32 $_size__tile_overlayer_lowered;
	s6 =	simm.s32 $_tile_overlayer_lowered  }
0xa1: {  	s22 =	simm.s32 $0x1BFF;
	s21 =	sshll.u32 s6, $0x1;
	s3 =	sadd.s32 s19, s18  }
0xa2: {  	s7 =	simm.s32 $0x0;
	s20 =	sshll.u32 s5, $0x1;
	s5 =	sadd.s32 s21, s3  }
0xa3: {  	[timem:s7], [sflag:s22] =	dma.local [hbm:s5], s20  }
0xa4: {  	_ =	swait.ge [sflag:s22], s20  }
0xa5: {  	s4 =	ssub.s32 $0x0, s20;
	[sflag:s22] =	ssyncset.done $0x0  }
0xa6: {  	[sflag:s22] =	ssyncadd.s32 s4;
	_ =	sdelay $0x1  }
0xa7: {  	s23 =	simm.s32 $0x1B8B  }
0xa8: {  	_ =	swait.ge [sflag:s23], $0x1  }
0xa9: {  	[sflag:s23] =	ssyncset.done $0x0  }
0xaa: {  	s25 =	simm.s32 $0x1B8E;
	s24 =	sld [smem:$0x3FFE];
	[sflag:s23] =	ssyncadd.s32 $0xFFFFFFFF  }
0xab: {  	s26 =	simm.s32 $execute0_lowered;
	[smem:$0x3FD2] =	sst s25  }
0xac: {  	s5 =	sshll.u32 s26, $0x1;
	_ =	strace $0x80000046;
	[dreg:$0x1] =	wrdreg $0xFFFFFFFF  }
0xad: {  	s28 =	simm.s32 $_size_execute0_lowered;
	s3 =	sadd.s32 s3, s5;
	[dreg:$0x0] =	wrdreg $0x0  }
0xae: {  	s5 =	sshll.u32 s28, $0x1;
	[dreg:$0x2] =	wrdreg s3  }
0xaf: {  	[dreg:$0x3] =	wrdreg s5  }
0xb0: {  	[dreg:$0x4] =	wrdreg $0xC0  }
0xb1: {  	_ =	task [dreg:s7], $0x5FFFF  }
0xb2: {  	[dreg:$0x1] =	wrdreg $0xFFFFFFFF  }
0xb3: {  	[dreg:$0x0] =	wrdreg $0x60  }
0xb4: {  	[dreg:$0x2] =	wrdreg s24  }
0xb5: {  	[dreg:$0x3] =	wrdreg s16  }
0xb6: {  	[dreg:$0x4] =	wrdreg $0x9  }
0xb7: {  	_ =	task.clear_ibuf [dreg:s7], $0x5FFFF;
	_ =	strace $0x90000046  }
0xb8: {  	s29 =	simm.s32 $0x9;
	_ =	strace $0x80000048  }
0xb9: {  	_ =	swait.ge [sflag:s29], $0x1  }
0xba: {  	[sflag:s29] =	ssyncadd.s32 $0xFFFFFFFF  }
0xbb: {  	_ =	strace $0x90000048  }
0xbc: {  	_ =	sfence  }
0xbd: {  	s30 =	sld [smem:$0x0];
	_ =	sdelay $0x2  }
0xbe: {  	s31 =	sshll.u32 s1, $0xD;
	s1 =	sshrl.u32 s1, $0x2  }
0xbf: {  	s3 =	sand.u32 $0x4000, s31;
	s1 =	sadd.s32 s1, s30  }
0xc0: {  	s0 =	sor.u32 s3, s0;
	s1 =	sshll.u32 s1, $0x11  }
0xc1: {  	s0 =	sor.u32 s1, s0  }
0xc2: {  	s0 =	sadd.s32 $0x8F2B, s0  }
0xc3: {  	[sflag:s0] =	ssyncadd.remote.s32 $0x1  }
0xc4: {  	_ =	sfence.sel $0xFFFF  }
0xc5: {  	[dreg:$0x0] =	wrdreg $0xFFFFFFFF;
	(pc) =	sbr.abs _section_cstart, $3  }
0xc6: {  	[dreg:$0x1] =	wrdreg $0xFFFFFFFF  }
0xc7: {  	_ =	task.clear_ibuf [dreg:s7], $0x2FFFF;
	_ =	strace $0x9FFFFFFF  }
0xc8: {  	(tm) =	ssettm $0x7FFFFFFF  }
0xc9: {  	_ =	shalt  }
tec
execute0_lowered:
.L_overlay_start_1:
0x0: {  	(tag) =	ssettag $0x1  }
0x1: {  	s1 =	srdreg.scid  }
0x2: {  	s0 =	stileid.u32;
	s7 =	sand.u32 $0x1, s1  }
0x3: {  	s5 =	rddreg [dreg:$0x0];
	s30 =	sshll.u32 s0, $0x5;
	s2 =	sshll.u32 s7, $0x4  }
0x4: {  	s9 =	rddreg [dreg:$0x1];
	s10 =	sor.u32 s2, s30  }
0x5: {  	s1 =	rddreg [dreg:$0x2];
	s2 =	simm.s32 $0x0;
	s3 =	sshrl.u32 s10, $0x3  }
0x6: {  	[smem:$0x7FF] =	sst s2;
	s3 =	sadd.s32 s3, s5  }
0x7: {  	_ =	strace $0x80000047;
	s4 =	sadd.s32 $0x20400, s3;
	s3 =	simm.s32 $0x2  }
0x8: {  	[tilespmem:s2], [sflag:$0x2] =	stream.linear.gather [hbm4b:s4+s2], $0x10, $0x38;
	[tilespmem:$0x1080] =	vst v63  }
0x9: {  	_ =	swait.ge [sflag:s3], $0x10  }
0xa: {  	[sflag:s3] =	ssyncset.done $0x0  }
0xb: {  	[sflag:s3] =	ssyncadd.s32 $0xFFFFFFF0  }
0xc: {  	v0 =	vld [tilespmem:$0x0];
	_ =	sdelay $0x4  }
0xd: {  	v1 =	vshll.u32 v0, $0x1  }
0xe: {  	v2 =	vlaneseq.u32;
	v3 =	vand.u32 $0x7, v0;
	v1 =	vand.u32 $0xFFFFFFF0, v1  }
0xf: {  	v4 =	vshrl.u32 v2, $0x3;
	v0 =	vand.u32 $0x7, v2;
	v3 =	vor.u32 v3, v1  }
0x10: {  	v1 =	vmul.u32 $0x8, v4;
	v63 =	vperm.xlane v3, v0  }
0x11: {  	v2 =	vor.u32 $0x8, v2  }
0x12: {  	v3 =	vperm.xlane v3, v2;
	v4 =	vadd.s32 v1, v63;
	_ =	sdelay $0x1  }
0x13: {  	s11 =	ssub.s32 $0x2, s7;
	v3 =	vadd.s32 v1, v3  }
0x14: {  	s12 =	sshrl.u32 s11, $0x1  }
0x15: {  	vm0 =	vmmov $0xffff;
	s6 =	simm.s32 $0x80;
	s11 =	ssub.s32 s11, s12;
	s5 =	sadd.s32 $0x400, s5  }
0x16: {  	[tilespmem:s6], [sflag:$0x1] =	stream.indirect_vreg.gather [hbm4b:s5+s2], $0x80, v4, vm0, $0xb8;
	[tilespmem:$0x1080] =	vst v63  }
0x17: {  	s8 =	simm.s32 $0x1;
	s7 =	simm.s32 $0x880;
	s31 =	smax.u32 s11, $0x1  }
0x18: {  	[tilespmem:s7], [sflag:$0x1] =	stream.indirect_vreg.gather [hbm4b:s5+s2], $0x80, v3, vm0, $0xb8;
	[tilespmem:$0x1080] =	vst v63  }
0x19: {  	p0 =	sne.s32 s31, $0x1;
	_ =	swait.ge [sflag:s8], $0x1000  }
.Ltmp0:
0x1a: {  	s10 =	sshll.u32 s10, $0x5;
	[sflag:s8] =	ssyncset.done $0x0;
	(pc) =	sbr.rel @!p0 .LBB2_2-.Ltmp0, $4  }
0x1b: {  	s9 =	sadd.s32 s9, s10;
	[sflag:s8] =	ssyncadd.s32 $0xFFFFF000  }
0x1c: {  	[hbm4b:s9+s2] =	stream.linear.scatter [tilespmem:s6], [sflag:$0x2], $0x1000, $0x38;
	[tilespmem:$0x1080] =	vst v63  }
0x1d: {  	_ =	swait.ge [sflag:s3], $0x1000  }
0x1e: {  	s10 =	sadd.s32 $0xFFFFFFFF, s31;
	[sflag:s3] =	ssyncset.done $0x0  }
.LBB2_1:
0x1f: {  	p0 =	sne.s32 s10, $0x1;
	s10 =	sadd.s32 $0xFFFFFFFF, s10;
	[sflag:s3] =	ssyncadd.s32 $0xFFFFF000  }
0x20: {  	[tilespmem:s2], [sflag:$0x2] =	stream.linear.gather [hbm4b:s4+s2], $0x10, $0x38;
	[tilespmem:$0x1080] =	vst v63  }
0x21: {  	_ =	swait.ge [sflag:s3], $0x10  }
0x22: {  	[sflag:s3] =	ssyncset.done $0x0  }
0x23: {  	[sflag:s3] =	ssyncadd.s32 $0xFFFFFFF0  }
0x24: {  	v3 =	vld [tilespmem:$0x0];
	_ =	sdelay $0x4  }
0x25: {  	v4 =	vshll.u32 v3, $0x1  }
0x26: {  	v3 =	vand.u32 $0x7, v3;
	v4 =	vand.u32 $0xFFFFFFF0, v4  }
0x27: {  	v3 =	vor.u32 v3, v4  }
0x28: {  	v4 =	vperm.xlane v3, v0;
	v3 =	vperm.xlane v3, v2;
	_ =	sdelay $0x1  }
0x29: {  	v4 =	vadd.s32 v1, v4;
	_ =	sdelay $0x1  }
0x2a: {  	v3 =	vadd.s32 v1, v3;
	_ =	sdelay $0x2  }
0x2b: {  	[tilespmem:s6], [sflag:$0x1] =	stream.indirect_vreg.gather [hbm4b:s5+s2], $0x80, v4, vm0, $0xb8;
	[tilespmem:$0x1080] =	vst v63  }
0x2c: {  	_ = 	snop  }
0x2d: {  	[tilespmem:s7], [sflag:$0x1] =	stream.indirect_vreg.gather [hbm4b:s5+s2], $0x80, v3, vm0, $0xb8;
	[tilespmem:$0x1080] =	vst v63  }
0x2e: {  	_ =	swait.ge [sflag:s8], $0x1000  }
.Ltmp1:
0x2f: {  	[sflag:s8] =	ssyncset.done $0x0;
	(pc) =	sbr.rel @p0 .LBB2_1-.Ltmp1, $4  }
0x30: {  	[sflag:s8] =	ssyncadd.s32 $0xFFFFF000  }
0x31: {  	[hbm4b:s9+s2] =	stream.linear.scatter [tilespmem:s6], [sflag:$0x2], $0x1000, $0x38;
	[tilespmem:$0x1080] =	vst v63  }
0x32: {  	_ =	swait.ge [sflag:s3], $0x1000  }
0x33: {  	[sflag:s3] =	ssyncset.done $0x0  }
.LBB2_2:
0x34: {  	[sflag:s3] =	ssyncadd.s32 $0xFFFFF000  }
0x35: {  	_ =	sfence.sel $0x180000  }
0x36: {  	[bflag:$0x0] =	sbarrier.arrive $0xFFFF  }
0x37: {  	p0 =	sne.s32 s0, $0x0;
	_ =	strace $0x90000047  }
0x38: {  	s0 =	sadd.s32 @!p0 $0x100000, s1;
	[bflag:$0x2] =	sbarrier.arrive $0xFFFF  }
0x39: {  	[sflag:s0] =	ssyncadd.tile.s32 @!p0 $0x1;
	_ =	shalt  }
.Lfunc_end2:
_tile_overlayer_lowered:
.L_overlay_start_2:
0x3a: {  	(tag) =	ssettag $0x2  }
0x3b: {  	s0 =	rddreg [dreg:$0x0];
	s2 =	stileid.u32  }
0x3c: {  	s1 =	rddreg [dreg:$0x1];
	p0 =	sne.s32 s2, $0x0  }
0x3d: {  	s3 =	rddreg [dreg:$0x2];
	[bflag:$0x3] =	sbarrier.arrive $0xFFFF;
	s2 =	simm.s32 @!p0 $0x1C02  }
0x3e: {  	[timem:s3], [sflag:s2] =	dma.local @!p0 [hbm:s0], s1  }
0x3f: {  	s0 =	simm.s32 @!p0 $0x2  }
0x40: {  	_ =	swait.ge @!p0 [sflag:s0], s1  }
0x41: {  	s1 =	ssub.s32 @!p0 $0x0, s1;
	[sflag:s0] =	ssyncset.done @!p0 $0x0  }
0x42: {  	[sflag:s0] =	ssyncadd.s32 @!p0 s1  }
0x43: {  	[bflag:$0x3] =	sbarrier.arrive $0xFFFF  }
0x44: {  	_ =	shalt  }

</sc_bundles>
